<compile_context>
chip_gen: v7x
topology: tpu7x:2x2x1
jax: 0.10.2.dev20260603
libtpu: 0.0.44.dev20260713+nightly
codegen_flags: <defaults>
</compile_context>

<pallas_src>
import functools

import jax
import jax.numpy as jnp
from jax import lax
from jax.experimental import pallas as pl
from jax.experimental.pallas import tpu as pltpu
from jax.experimental.pallas import tpu_sc as plsc

N_TOK = 16 * 2048
D = 128
M = 1000
MP = 1024
TILE = 4096
T = N_TOK // TILE

NC = 2
NS = 16
CHUNK = 128
ROWS_PER_WORKER = N_TOK // (NC * NS)


def _stage_a(q_ref, k_ref, qw_ref, gi_ref, colmax_out_ref, kb_ref, colmax_ref):
    t = pl.program_id(0)

    @pl.when(t == 0)
    def _init():
        colmax_ref[...] = jnp.full((1, MP), -1e30, jnp.float32)
        kb_ref[...] = k_ref[...].astype(jnp.bfloat16)

    q = q_ref[...]
    ones = jnp.ones((D, D), jnp.bfloat16)
    ss = jnp.dot((q * q).astype(jnp.bfloat16), ones, preferred_element_type=jnp.float32)
    qn = q * lax.rsqrt(jnp.maximum(ss, 1e-24))
    qb = qn.astype(jnp.bfloat16)
    s = jnp.dot(qb, kb_ref[...].T, preferred_element_type=jnp.float32)
    col_ids = lax.broadcasted_iota(jnp.int32, (TILE, MP), 1)
    s = jnp.where(col_ids < M, s, -1e30)
    rowmax = jnp.max(s, axis=1, keepdims=True)
    gi = jnp.min(jnp.where(s == rowmax, col_ids, MP), axis=1, keepdims=True)
    colmax_ref[...] = jnp.maximum(colmax_ref[...], jnp.max(s, axis=0, keepdims=True))
    qw_ref[...] = qn * jnp.exp(rowmax)
    lane = lax.broadcasted_iota(jnp.int32, (TILE, T), 1)
    gi_ref[...] = jnp.where(lane == t, gi, gi_ref[...])

    @pl.when(t == T - 1)
    def _finish():
        colmax_out_ref[...] = jnp.broadcast_to(colmax_ref[...], (8, MP))


def _sc_scatter_body(qw_hbm, gi_hbm, zeros_hbm, out_hbm, idx_v, rows_v, table_sh):
    c = lax.axis_index("c")
    s = lax.axis_index("s")
    base = (c * NS + s) * ROWS_PER_WORKER
    rows_per_sub = MP // NS
    pltpu.sync_copy(
        zeros_hbm.at[pl.ds(s * rows_per_sub, rows_per_sub)],
        table_sh.at[pl.ds(s * rows_per_sub, rows_per_sub)],
    )
    plsc.subcore_barrier()
    for j in range(ROWS_PER_WORKER // CHUNK):
        off = base + j * CHUNK
        pltpu.sync_copy(gi_hbm.at[pl.ds(off, CHUNK)], idx_v)
        pltpu.sync_copy(qw_hbm.at[pl.ds(off, CHUNK)], rows_v)
        pltpu.sync_copy(rows_v, table_sh.at[idx_v], add=True)
    plsc.subcore_barrier()
    pltpu.sync_copy(
        table_sh.at[pl.ds(s * rows_per_sub, rows_per_sub)],
        out_hbm.at[c, pl.ds(s * rows_per_sub, rows_per_sub)],
    )


def _stage_c(tabs_ref, colmax_ref, k_ref, out_ref):
    tab = tabs_ref[0] + tabs_ref[1]
    cm = jnp.transpose(jnp.exp(-colmax_ref[0:1, :]))
    upd = 1e-05 * cm * tab + k_ref[...]
    nrm = jnp.sum(upd * upd, axis=1, keepdims=True)
    out_ref[...] = (upd * lax.rsqrt(jnp.maximum(nrm, 1e-24)))[:M]


@jax.jit
def kernel(query, keys):
    q2 = query.reshape(N_TOK, D)
    kp = jnp.pad(keys, ((0, MP - M), (0, 0)))

    qw, gi_cols, colmax = pl.pallas_call(
        _stage_a,
        grid=(T,),
        in_specs=[
            pl.BlockSpec((TILE, D), lambda t: (t, 0)),
            pl.BlockSpec((MP, D), lambda t: (0, 0)),
        ],
        out_specs=[
            pl.BlockSpec((TILE, D), lambda t: (t, 0)),
            pl.BlockSpec((TILE, T), lambda t: (0, 0)),
            pl.BlockSpec((8, MP), lambda t: (0, 0)),
        ],
        out_shape=[
            jax.ShapeDtypeStruct((N_TOK, D), jnp.float32),
            jax.ShapeDtypeStruct((TILE, T), jnp.int32),
            jax.ShapeDtypeStruct((8, MP), jnp.float32),
        ],
        scratch_shapes=[
            pltpu.VMEM((MP, D), jnp.bfloat16),
            pltpu.VMEM((1, MP), jnp.float32),
        ],
    )(q2, kp)

    gi_flat = gi_cols.T.reshape(N_TOK)
    zeros = jnp.zeros((MP, D), jnp.float32)

    sc_scatter = functools.partial(
        pl.kernel,
        mesh=plsc.VectorSubcoreMesh(core_axis_name="c", subcore_axis_name="s"),
        out_type=jax.ShapeDtypeStruct((NC, MP, D), jnp.float32),
        scratch_types=[
            pltpu.VMEM((CHUNK,), jnp.int32),
            pltpu.VMEM((CHUNK, D), jnp.float32),
            pltpu.VMEM_SHARED((MP, D), jnp.float32),
        ],
    )(_sc_scatter_body)
    tabs = sc_scatter(qw, gi_flat, zeros)

    return pl.pallas_call(
        _stage_c,
        in_specs=[
            pl.BlockSpec((NC, MP, D), lambda: (0, 0, 0)),
            pl.BlockSpec((8, MP), lambda: (0, 0)),
            pl.BlockSpec((MP, D), lambda: (0, 0)),
        ],
        out_specs=pl.BlockSpec((M, D), lambda: (0, 0)),
        out_shape=jax.ShapeDtypeStruct((M, D), jnp.float32),
    )(tabs, colmax, kp)

# --- scband reference (transcript-rebuilt; emitter-appended) ---
"""Pipeline reference for scband-memory-2654289789385 (READ-ONLY COPY).

The authoritative reference and input builder live on the scoring server;
editing this copy changes nothing except your own understanding.
"""

import jax, jax.numpy as jnp
import numpy as np


def _normalize(x, axis):
    # torch F.normalize(p=2, eps=1e-12)
    n = jnp.linalg.norm(x, axis=axis, keepdims=True)
    return x / jnp.maximum(n, 1e-12)


def setup_inputs(seed: int = 0) -> dict:
    key = jax.random.key(seed)
    k1, k2 = jax.random.split(key)
    query = jax.random.normal(k1, (16, 2048, 128), dtype=jnp.float32)
    keys = jax.random.normal(k2, (1000, 128), dtype=jnp.float32)
    return {"query": query, "keys": keys}


def reference(query, keys):
    # forward: query = F.normalize(query, dim=2); updated_memory = update(query, keys)
    query = _normalize(query, 2)
    bs, t_seg, d = query.shape
    m = keys.shape[0]

    # get_score(keys, query)
    score = jnp.matmul(query, keys.T).reshape(bs * t_seg, m)
    softmax_score_query = jax.nn.softmax(score, axis=0)
    softmax_score_memory = jax.nn.softmax(score, axis=1)

    query_reshape = query.reshape(bs * t_seg, d)

    # topk(softmax_score_memory, 1, dim=1) -> per-token best memory slot
    gathering_indices = jnp.argmax(softmax_score_memory, axis=1)

    # get_update_query: for each slot i, sum over tokens assigned to i of
    #   (score_query[n, i] / max_n score_query[n, i]) * query[n]
    col_max = jnp.max(softmax_score_query, axis=0)  # [m]
    n_tok = bs * t_seg
    w = softmax_score_query[jnp.arange(n_tok), gathering_indices] / col_max[gathering_indices]
    query_update = jax.ops.segment_sum(w[:, None] * query_reshape, gathering_indices, num_segments=m)

    updated_memory = _normalize(1e-05 * query_update + keys, 1)
    # torch does .detach() on the returned memory
    return jax.lax.stop_gradient(updated_memory)

if __name__ == "__main__":
    import jax
    _d = setup_inputs()
    print(jax.jit(kernel)(*tuple(_d.values())))

</pallas_src>

<mosaic_0001>
#map = affine_map<(d0, d1) -> (0, 0)>
#map1 = affine_map<(d0, d1) -> (0)>
#map2 = affine_map<(d0, d1) -> (0, 0, 0)>
module attributes {stable_mosaic.version = 14 : i64} {
  func.func @_sc_scatter_body(%arg0: i32, %arg1: i32, %arg2: memref<32768x128xf32, #tpu.memory_space<hbm>>, %arg3: memref<32768xi32, #tpu.memory_space<hbm>>, %arg4: memref<1024x128xf32, #tpu.memory_space<hbm>>, %arg5: memref<2x1024x128xf32, #tpu.memory_space<hbm>>, %arg6: memref<128xi32, #tpu.memory_space<vmem>>, %arg7: memref<128x128xf32, #tpu.memory_space<vmem>>, %arg8: memref<1024x128xf32, #tpu.memory_space<vmem_shared>>) attributes {dimension_semantics = [#tpu.dimension_semantics<core_parallel>, #tpu.dimension_semantics<subcore_parallel>], iteration_bounds = array<i64: 2, 16>, scalar_prefetch = 0 : i64, scratch_operands = 3 : i64, tpu.core_type = #tpu.core_type<sc_vector_subcore>, window_params = [{transform_indices = #map}, {transform_indices = #map1}, {transform_indices = #map}, {transform_indices = #map2}]} {
    %mul3A = arith.constant 16 : i32
    %mul3A_0 = arith.muli %arg0, %mul3A : i32
    %add3A = arith.addi %mul3A_0, %arg1 : i32
    %mul3A_1 = arith.constant 1024 : i32
    %mul3A_2 = arith.muli %add3A, %mul3A_1 : i32
    %mul3A_3 = arith.constant 64 : i32
    %mul3A_4 = arith.muli %arg1, %mul3A_3 : i32
    %mul3A_5 = arith.constant 64 : i32
    %mul3A_6 = arith.muli %arg1, %mul3A_5 : i32
    "tpu.region"() ({
      %run_scoped3A = tpu.sem_alloc : memref<!tpu.dma_semaphore, #tpu.memory_space<semaphore_mem>>
      %dma_start3A = arith.constant 0 : i32
      %dma_start3A_28 = tpu.memref_slice %arg8[%mul3A_6, %dma_start3A] : memref<1024x128xf32, #tpu.memory_space<vmem_shared>> -> memref<64x128xf32, #tpu.memory_space<vmem_shared>>
      %dma_start3A_29 = arith.constant 0 : i32
      %dma_start3A_30 = tpu.memref_slice %arg4[%mul3A_4, %dma_start3A_29] : memref<1024x128xf32, #tpu.memory_space<hbm>> -> memref<64x128xf32, #tpu.memory_space<hbm>>
      tpu.enqueue_dma source(%dma_start3A_30 : memref<64x128xf32, #tpu.memory_space<hbm>>) target(%dma_start3A_28 : memref<64x128xf32, #tpu.memory_space<vmem_shared>>) target_semaphore(%run_scoped3A : memref<!tpu.dma_semaphore, #tpu.memory_space<semaphore_mem>>)
      %dma_wait3A = arith.constant 0 : i32
      %dma_wait3A_31 = tpu.memref_slice %arg8[%mul3A_6, %dma_wait3A] : memref<1024x128xf32, #tpu.memory_space<vmem_shared>> -> memref<64x128xf32, #tpu.memory_space<vmem_shared>>
      %dma_wait3A_32 = arith.constant 0 : i32
      %dma_wait3A_33 = tpu.memref_slice %arg4[%mul3A_4, %dma_wait3A_32] : memref<1024x128xf32, #tpu.memory_space<hbm>> -> memref<64x128xf32, #tpu.memory_space<hbm>>
      tpu.wait_dma2 semaphore(%run_scoped3A : memref<!tpu.dma_semaphore, #tpu.memory_space<semaphore_mem>>) src(%dma_wait3A_33 : memref<64x128xf32, #tpu.memory_space<hbm>>) dst(%dma_wait3A_31 : memref<64x128xf32, #tpu.memory_space<vmem_shared>>)
      tpu.yield
    }) : () -> ()
    %barrier3A = arith.constant 0 : index
    tpu.barrier barrier_id(%barrier3A)
    %add3A_7 = arith.constant 0 : i32
    %add3A_8 = arith.addi %mul3A_2, %add3A_7 : i32
    "tpu.region"() ({
      %run_scoped3A = tpu.sem_alloc : memref<!tpu.dma_semaphore, #tpu.memory_space<semaphore_mem>>
      %dma_start3A = tpu.memref_slice %arg3[%add3A_8] : memref<32768xi32, #tpu.memory_space<hbm>> -> memref<128xi32, #tpu.memory_space<hbm>>
      %dma_start3A_28 = tpu.memref_slice %arg3[%add3A_8] : memref<32768xi32, #tpu.memory_space<hbm>> -> memref<128xi32, #tpu.memory_space<hbm>>
      tpu.enqueue_dma source(%dma_start3A_28 : memref<128xi32, #tpu.memory_space<hbm>>) target(%arg6 : memref<128xi32, #tpu.memory_space<vmem>>) target_semaphore(%run_scoped3A : memref<!tpu.dma_semaphore, #tpu.memory_space<semaphore_mem>>)
      %dma_wait3A = tpu.memref_slice %arg3[%add3A_8] : memref<32768xi32, #tpu.memory_space<hbm>> -> memref<128xi32, #tpu.memory_space<hbm>>
      %dma_wait3A_29 = tpu.memref_slice %arg3[%add3A_8] : memref<32768xi32, #tpu.memory_space<hbm>> -> memref<128xi32, #tpu.memory_space<hbm>>
      tpu.wait_dma2 semaphore(%run_scoped3A : memref<!tpu.dma_semaphore, #tpu.memory_space<semaphore_mem>>) src(%dma_wait3A_29 : memref<128xi32, #tpu.memory_space<hbm>>) dst(%arg6 : memref<128xi32, #tpu.memory_space<vmem>>)
      tpu.yield
    }) : () -> ()
    "tpu.region"() ({
      %run_scoped3A = tpu.sem_alloc : memref<!tpu.dma_semaphore, #tpu.memory_space<semaphore_mem>>
      %dma_start3A = arith.constant 0 : i32
      %dma_start3A_28 = tpu.memref_slice %arg2[%add3A_8, %dma_start3A] : memref<32768x128xf32, #tpu.memory_space<hbm>> -> memref<128x128xf32, #tpu.memory_space<hbm>>
      %dma_start3A_29 = arith.constant 0 : i32
      %dma_start3A_30 = tpu.memref_slice %arg2[%add3A_8, %dma_start3A_29] : memref<32768x128xf32, #tpu.memory_space<hbm>> -> memref<128x128xf32, #tpu.memory_space<hbm>>
      tpu.enqueue_dma source(%dma_start3A_30 : memref<128x128xf32, #tpu.memory_space<hbm>>) target(%arg7 : memref<128x128xf32, #tpu.memory_space<vmem>>) target_semaphore(%run_scoped3A : memref<!tpu.dma_semaphore, #tpu.memory_space<semaphore_mem>>)
      %dma_wait3A = arith.constant 0 : i32
      %dma_wait3A_31 = tpu.memref_slice %arg2[%add3A_8, %dma_wait3A] : memref<32768x128xf32, #tpu.memory_space<hbm>> -> memref<128x128xf32, #tpu.memory_space<hbm>>
      %dma_wait3A_32 = arith.constant 0 : i32
      %dma_wait3A_33 = tpu.memref_slice %arg2[%add3A_8, %dma_wait3A_32] : memref<32768x128xf32, #tpu.memory_space<hbm>> -> memref<128x128xf32, #tpu.memory_space<hbm>>
      tpu.wait_dma2 semaphore(%run_scoped3A : memref<!tpu.dma_semaphore, #tpu.memory_space<semaphore_mem>>) src(%dma_wait3A_33 : memref<128x128xf32, #tpu.memory_space<hbm>>) dst(%arg7 : memref<128x128xf32, #tpu.memory_space<vmem>>)
      tpu.yield
    }) : () -> ()
    "tpu.region"() ({
      %run_scoped3A = tpu.sem_alloc : memref<!tpu.dma_semaphore, #tpu.memory_space<semaphore_mem>>
      %dma_start3A = arith.constant 0 : i32
      %dma_start3A_28 = arith.constant 0 : i32
      %dma_start3A_29 = tpu.memref_slice %arg8[%dma_start3A, %dma_start3A_28] : memref<1024x128xf32, #tpu.memory_space<vmem_shared>> -> memref<1024x128xf32, #tpu.memory_space<vmem_shared>>
      tpu.enqueue_indirect_dma source(%arg7 : memref<128x128xf32, #tpu.memory_space<vmem>>) target(%dma_start3A_29 : memref<1024x128xf32, #tpu.memory_space<vmem_shared>>) offsets(%arg6 : memref<128xi32, #tpu.memory_space<vmem>>) semaphore(%run_scoped3A : memref<!tpu.dma_semaphore, #tpu.memory_space<semaphore_mem>>) {add = true}
      %dma_wait3A = arith.constant 0 : i32
      %dma_wait3A_30 = arith.constant 0 : i32
      %dma_wait3A_31 = tpu.memref_slice %arg8[%dma_wait3A, %dma_wait3A_30] : memref<1024x128xf32, #tpu.memory_space<vmem_shared>> -> memref<1024x128xf32, #tpu.memory_space<vmem_shared>>
      tpu.wait_indirect_dma semaphore(%run_scoped3A : memref<!tpu.dma_semaphore, #tpu.memory_space<semaphore_mem>>) src(%arg7 : memref<128x128xf32, #tpu.memory_space<vmem>>) dst(%dma_wait3A_31 : memref<1024x128xf32, #tpu.memory_space<vmem_shared>>)
      tpu.yield
    }) : () -> ()
    %add3A_9 = arith.constant 128 : i32
    %add3A_10 = arith.addi %mul3A_2, %add3A_9 : i32
    "tpu.region"() ({
      %run_scoped3A = tpu.sem_alloc : memref<!tpu.dma_semaphore, #tpu.memory_space<semaphore_mem>>
      %dma_start3A = tpu.memref_slice %arg3[%add3A_10] : memref<32768xi32, #tpu.memory_space<hbm>> -> memref<128xi32, #tpu.memory_space<hbm>>
      %dma_start3A_28 = tpu.memref_slice %arg3[%add3A_10] : memref<32768xi32, #tpu.memory_space<hbm>> -> memref<128xi32, #tpu.memory_space<hbm>>
      tpu.enqueue_dma source(%dma_start3A_28 : memref<128xi32, #tpu.memory_space<hbm>>) target(%arg6 : memref<128xi32, #tpu.memory_space<vmem>>) target_semaphore(%run_scoped3A : memref<!tpu.dma_semaphore, #tpu.memory_space<semaphore_mem>>)
      %dma_wait3A = tpu.memref_slice %arg3[%add3A_10] : memref<32768xi32, #tpu.memory_space<hbm>> -> memref<128xi32, #tpu.memory_space<hbm>>
      %dma_wait3A_29 = tpu.memref_slice %arg3[%add3A_10] : memref<32768xi32, #tpu.memory_space<hbm>> -> memref<128xi32, #tpu.memory_space<hbm>>
      tpu.wait_dma2 semaphore(%run_scoped3A : memref<!tpu.dma_semaphore, #tpu.memory_space<semaphore_mem>>) src(%dma_wait3A_29 : memref<128xi32, #tpu.memory_space<hbm>>) dst(%arg6 : memref<128xi32, #tpu.memory_space<vmem>>)
      tpu.yield
    }) : () -> ()
    "tpu.region"() ({
      %run_scoped3A = tpu.sem_alloc : memref<!tpu.dma_semaphore, #tpu.memory_space<semaphore_mem>>
      %dma_start3A = arith.constant 0 : i32
      %dma_start3A_28 = tpu.memref_slice %arg2[%add3A_10, %dma_start3A] : memref<32768x128xf32, #tpu.memory_space<hbm>> -> memref<128x128xf32, #tpu.memory_space<hbm>>
      %dma_start3A_29 = arith.constant 0 : i32
      %dma_start3A_30 = tpu.memref_slice %arg2[%add3A_10, %dma_start3A_29] : memref<32768x128xf32, #tpu.memory_space<hbm>> -> memref<128x128xf32, #tpu.memory_space<hbm>>
      tpu.enqueue_dma source(%dma_start3A_30 : memref<128x128xf32, #tpu.memory_space<hbm>>) target(%arg7 : memref<128x128xf32, #tpu.memory_space<vmem>>) target_semaphore(%run_scoped3A : memref<!tpu.dma_semaphore, #tpu.memory_space<semaphore_mem>>)
      %dma_wait3A = arith.constant 0 : i32
      %dma_wait3A_31 = tpu.memref_slice %arg2[%add3A_10, %dma_wait3A] : memref<32768x128xf32, #tpu.memory_space<hbm>> -> memref<128x128xf32, #tpu.memory_space<hbm>>
      %dma_wait3A_32 = arith.constant 0 : i32
      %dma_wait3A_33 = tpu.memref_slice %arg2[%add3A_10, %dma_wait3A_32] : memref<32768x128xf32, #tpu.memory_space<hbm>> -> memref<128x128xf32, #tpu.memory_space<hbm>>
      tpu.wait_dma2 semaphore(%run_scoped3A : memref<!tpu.dma_semaphore, #tpu.memory_space<semaphore_mem>>) src(%dma_wait3A_33 : memref<128x128xf32, #tpu.memory_space<hbm>>) dst(%arg7 : memref<128x128xf32, #tpu.memory_space<vmem>>)
      tpu.yield
    }) : () -> ()
    "tpu.region"() ({
      %run_scoped3A = tpu.sem_alloc : memref<!tpu.dma_semaphore, #tpu.memory_space<semaphore_mem>>
      %dma_start3A = arith.constant 0 : i32
      %dma_start3A_28 = arith.constant 0 : i32
      %dma_start3A_29 = tpu.memref_slice %arg8[%dma_start3A, %dma_start3A_28] : memref<1024x128xf32, #tpu.memory_space<vmem_shared>> -> memref<1024x128xf32, #tpu.memory_space<vmem_shared>>
      tpu.enqueue_indirect_dma source(%arg7 : memref<128x128xf32, #tpu.memory_space<vmem>>) target(%dma_start3A_29 : memref<1024x128xf32, #tpu.memory_space<vmem_shared>>) offsets(%arg6 : memref<128xi32, #tpu.memory_space<vmem>>) semaphore(%run_scoped3A : memref<!tpu.dma_semaphore, #tpu.memory_space<semaphore_mem>>) {add = true}
      %dma_wait3A = arith.constant 0 : i32
      %dma_wait3A_30 = arith.constant 0 : i32
      %dma_wait3A_31 = tpu.memref_slice %arg8[%dma_wait3A, %dma_wait3A_30] : memref<1024x128xf32, #tpu.memory_space<vmem_shared>> -> memref<1024x128xf32, #tpu.memory_space<vmem_shared>>
      tpu.wait_indirect_dma semaphore(%run_scoped3A : memref<!tpu.dma_semaphore, #tpu.memory_space<semaphore_mem>>) src(%arg7 : memref<128x128xf32, #tpu.memory_space<vmem>>) dst(%dma_wait3A_31 : memref<1024x128xf32, #tpu.memory_space<vmem_shared>>)
      tpu.yield
    }) : () -> ()
    %add3A_11 = arith.constant 256 : i32
    %add3A_12 = arith.addi %mul3A_2, %add3A_11 : i32
    "tpu.region"() ({
      %run_scoped3A = tpu.sem_alloc : memref<!tpu.dma_semaphore, #tpu.memory_space<semaphore_mem>>
      %dma_start3A = tpu.memref_slice %arg3[%add3A_12] : memref<32768xi32, #tpu.memory_space<hbm>> -> memref<128xi32, #tpu.memory_space<hbm>>
      %dma_start3A_28 = tpu.memref_slice %arg3[%add3A_12] : memref<32768xi32, #tpu.memory_space<hbm>> -> memref<128xi32, #tpu.memory_space<hbm>>
      tpu.enqueue_dma source(%dma_start3A_28 : memref<128xi32, #tpu.memory_space<hbm>>) target(%arg6 : memref<128xi32, #tpu.memory_space<vmem>>) target_semaphore(%run_scoped3A : memref<!tpu.dma_semaphore, #tpu.memory_space<semaphore_mem>>)
      %dma_wait3A = tpu.memref_slice %arg3[%add3A_12] : memref<32768xi32, #tpu.memory_space<hbm>> -> memref<128xi32, #tpu.memory_space<hbm>>
      %dma_wait3A_29 = tpu.memref_slice %arg3[%add3A_12] : memref<32768xi32, #tpu.memory_space<hbm>> -> memref<128xi32, #tpu.memory_space<hbm>>
      tpu.wait_dma2 semaphore(%run_scoped3A : memref<!tpu.dma_semaphore, #tpu.memory_space<semaphore_mem>>) src(%dma_wait3A_29 : memref<128xi32, #tpu.memory_space<hbm>>) dst(%arg6 : memref<128xi32, #tpu.memory_space<vmem>>)
      tpu.yield
    }) : () -> ()
    "tpu.region"() ({
      %run_scoped3A = tpu.sem_alloc : memref<!tpu.dma_semaphore, #tpu.memory_space<semaphore_mem>>
      %dma_start3A = arith.constant 0 : i32
      %dma_start3A_28 = tpu.memref_slice %arg2[%add3A_12, %dma_start3A] : memref<32768x128xf32, #tpu.memory_space<hbm>> -> memref<128x128xf32, #tpu.memory_space<hbm>>
      %dma_start3A_29 = arith.constant 0 : i32
      %dma_start3A_30 = tpu.memref_slice %arg2[%add3A_12, %dma_start3A_29] : memref<32768x128xf32, #tpu.memory_space<hbm>> -> memref<128x128xf32, #tpu.memory_space<hbm>>
      tpu.enqueue_dma source(%dma_start3A_30 : memref<128x128xf32, #tpu.memory_space<hbm>>) target(%arg7 : memref<128x128xf32, #tpu.memory_space<vmem>>) target_semaphore(%run_scoped3A : memref<!tpu.dma_semaphore, #tpu.memory_space<semaphore_mem>>)
      %dma_wait3A = arith.constant 0 : i32
      %dma_wait3A_31 = tpu.memref_slice %arg2[%add3A_12, %dma_wait3A] : memref<32768x128xf32, #tpu.memory_space<hbm>> -> memref<128x128xf32, #tpu.memory_space<hbm>>
      %dma_wait3A_32 = arith.constant 0 : i32
      %dma_wait3A_33 = tpu.memref_slice %arg2[%add3A_12, %dma_wait3A_32] : memref<32768x128xf32, #tpu.memory_space<hbm>> -> memref<128x128xf32, #tpu.memory_space<hbm>>
      tpu.wait_dma2 semaphore(%run_scoped3A : memref<!tpu.dma_semaphore, #tpu.memory_space<semaphore_mem>>) src(%dma_wait3A_33 : memref<128x128xf32, #tpu.memory_space<hbm>>) dst(%arg7 : memref<128x128xf32, #tpu.memory_space<vmem>>)
      tpu.yield
    }) : () -> ()
    "tpu.region"() ({
      %run_scoped3A = tpu.sem_alloc : memref<!tpu.dma_semaphore, #tpu.memory_space<semaphore_mem>>
      %dma_start3A = arith.constant 0 : i32
      %dma_start3A_28 = arith.constant 0 : i32
      %dma_start3A_29 = tpu.memref_slice %arg8[%dma_start3A, %dma_start3A_28] : memref<1024x128xf32, #tpu.memory_space<vmem_shared>> -> memref<1024x128xf32, #tpu.memory_space<vmem_shared>>
      tpu.enqueue_indirect_dma source(%arg7 : memref<128x128xf32, #tpu.memory_space<vmem>>) target(%dma_start3A_29 : memref<1024x128xf32, #tpu.memory_space<vmem_shared>>) offsets(%arg6 : memref<128xi32, #tpu.memory_space<vmem>>) semaphore(%run_scoped3A : memref<!tpu.dma_semaphore, #tpu.memory_space<semaphore_mem>>) {add = true}
      %dma_wait3A = arith.constant 0 : i32
      %dma_wait3A_30 = arith.constant 0 : i32
      %dma_wait3A_31 = tpu.memref_slice %arg8[%dma_wait3A, %dma_wait3A_30] : memref<1024x128xf32, #tpu.memory_space<vmem_shared>> -> memref<1024x128xf32, #tpu.memory_space<vmem_shared>>
      tpu.wait_indirect_dma semaphore(%run_scoped3A : memref<!tpu.dma_semaphore, #tpu.memory_space<semaphore_mem>>) src(%arg7 : memref<128x128xf32, #tpu.memory_space<vmem>>) dst(%dma_wait3A_31 : memref<1024x128xf32, #tpu.memory_space<vmem_shared>>)
      tpu.yield
    }) : () -> ()
    %add3A_13 = arith.constant 384 : i32
    %add3A_14 = arith.addi %mul3A_2, %add3A_13 : i32
    "tpu.region"() ({
      %run_scoped3A = tpu.sem_alloc : memref<!tpu.dma_semaphore, #tpu.memory_space<semaphore_mem>>
      %dma_start3A = tpu.memref_slice %arg3[%add3A_14] : memref<32768xi32, #tpu.memory_space<hbm>> -> memref<128xi32, #tpu.memory_space<hbm>>
      %dma_start3A_28 = tpu.memref_slice %arg3[%add3A_14] : memref<32768xi32, #tpu.memory_space<hbm>> -> memref<128xi32, #tpu.memory_space<hbm>>
      tpu.enqueue_dma source(%dma_start3A_28 : memref<128xi32, #tpu.memory_space<hbm>>) target(%arg6 : memref<128xi32, #tpu.memory_space<vmem>>) target_semaphore(%run_scoped3A : memref<!tpu.dma_semaphore, #tpu.memory_space<semaphore_mem>>)
      %dma_wait3A = tpu.memref_slice %arg3[%add3A_14] : memref<32768xi32, #tpu.memory_space<hbm>> -> memref<128xi32, #tpu.memory_space<hbm>>
      %dma_wait3A_29 = tpu.memref_slice %arg3[%add3A_14] : memref<32768xi32, #tpu.memory_space<hbm>> -> memref<128xi32, #tpu.memory_space<hbm>>
      tpu.wait_dma2 semaphore(%run_scoped3A : memref<!tpu.dma_semaphore, #tpu.memory_space<semaphore_mem>>) src(%dma_wait3A_29 : memref<128xi32, #tpu.memory_space<hbm>>) dst(%arg6 : memref<128xi32, #tpu.memory_space<vmem>>)
      tpu.yield
    }) : () -> ()
    "tpu.region"() ({
      %run_scoped3A = tpu.sem_alloc : memref<!tpu.dma_semaphore, #tpu.memory_space<semaphore_mem>>
      %dma_start3A = arith.constant 0 : i32
      %dma_start3A_28 = tpu.memref_slice %arg2[%add3A_14, %dma_start3A] : memref<32768x128xf32, #tpu.memory_space<hbm>> -> memref<128x128xf32, #tpu.memory_space<hbm>>
      %dma_start3A_29 = arith.constant 0 : i32
      %dma_start3A_30 = tpu.memref_slice %arg2[%add3A_14, %dma_start3A_29] : memref<32768x128xf32, #tpu.memory_space<hbm>> -> memref<128x128xf32, #tpu.memory_space<hbm>>
      tpu.enqueue_dma source(%dma_start3A_30 : memref<128x128xf32, #tpu.memory_space<hbm>>) target(%arg7 : memref<128x128xf32, #tpu.memory_space<vmem>>) target_semaphore(%run_scoped3A : memref<!tpu.dma_semaphore, #tpu.memory_space<semaphore_mem>>)
      %dma_wait3A = arith.constant 0 : i32
      %dma_wait3A_31 = tpu.memref_slice %arg2[%add3A_14, %dma_wait3A] : memref<32768x128xf32, #tpu.memory_space<hbm>> -> memref<128x128xf32, #tpu.memory_space<hbm>>
      %dma_wait3A_32 = arith.constant 0 : i32
      %dma_wait3A_33 = tpu.memref_slice %arg2[%add3A_14, %dma_wait3A_32] : memref<32768x128xf32, #tpu.memory_space<hbm>> -> memref<128x128xf32, #tpu.memory_space<hbm>>
      tpu.wait_dma2 semaphore(%run_scoped3A : memref<!tpu.dma_semaphore, #tpu.memory_space<semaphore_mem>>) src(%dma_wait3A_33 : memref<128x128xf32, #tpu.memory_space<hbm>>) dst(%arg7 : memref<128x128xf32, #tpu.memory_space<vmem>>)
      tpu.yield
    }) : () -> ()
    "tpu.region"() ({
      %run_scoped3A = tpu.sem_alloc : memref<!tpu.dma_semaphore, #tpu.memory_space<semaphore_mem>>
      %dma_start3A = arith.constant 0 : i32
      %dma_start3A_28 = arith.constant 0 : i32
      %dma_start3A_29 = tpu.memref_slice %arg8[%dma_start3A, %dma_start3A_28] : memref<1024x128xf32, #tpu.memory_space<vmem_shared>> -> memref<1024x128xf32, #tpu.memory_space<vmem_shared>>
      tpu.enqueue_indirect_dma source(%arg7 : memref<128x128xf32, #tpu.memory_space<vmem>>) target(%dma_start3A_29 : memref<1024x128xf32, #tpu.memory_space<vmem_shared>>) offsets(%arg6 : memref<128xi32, #tpu.memory_space<vmem>>) semaphore(%run_scoped3A : memref<!tpu.dma_semaphore, #tpu.memory_space<semaphore_mem>>) {add = true}
      %dma_wait3A = arith.constant 0 : i32
      %dma_wait3A_30 = arith.constant 0 : i32
      %dma_wait3A_31 = tpu.memref_slice %arg8[%dma_wait3A, %dma_wait3A_30] : memref<1024x128xf32, #tpu.memory_space<vmem_shared>> -> memref<1024x128xf32, #tpu.memory_space<vmem_shared>>
      tpu.wait_indirect_dma semaphore(%run_scoped3A : memref<!tpu.dma_semaphore, #tpu.memory_space<semaphore_mem>>) src(%arg7 : memref<128x128xf32, #tpu.memory_space<vmem>>) dst(%dma_wait3A_31 : memref<1024x128xf32, #tpu.memory_space<vmem_shared>>)
      tpu.yield
    }) : () -> ()
    %add3A_15 = arith.constant 512 : i32
    %add3A_16 = arith.addi %mul3A_2, %add3A_15 : i32
    "tpu.region"() ({
      %run_scoped3A = tpu.sem_alloc : memref<!tpu.dma_semaphore, #tpu.memory_space<semaphore_mem>>
      %dma_start3A = tpu.memref_slice %arg3[%add3A_16] : memref<32768xi32, #tpu.memory_space<hbm>> -> memref<128xi32, #tpu.memory_space<hbm>>
      %dma_start3A_28 = tpu.memref_slice %arg3[%add3A_16] : memref<32768xi32, #tpu.memory_space<hbm>> -> memref<128xi32, #tpu.memory_space<hbm>>
      tpu.enqueue_dma source(%dma_start3A_28 : memref<128xi32, #tpu.memory_space<hbm>>) target(%arg6 : memref<128xi32, #tpu.memory_space<vmem>>) target_semaphore(%run_scoped3A : memref<!tpu.dma_semaphore, #tpu.memory_space<semaphore_mem>>)
      %dma_wait3A = tpu.memref_slice %arg3[%add3A_16] : memref<32768xi32, #tpu.memory_space<hbm>> -> memref<128xi32, #tpu.memory_space<hbm>>
      %dma_wait3A_29 = tpu.memref_slice %arg3[%add3A_16] : memref<32768xi32, #tpu.memory_space<hbm>> -> memref<128xi32, #tpu.memory_space<hbm>>
      tpu.wait_dma2 semaphore(%run_scoped3A : memref<!tpu.dma_semaphore, #tpu.memory_space<semaphore_mem>>) src(%dma_wait3A_29 : memref<128xi32, #tpu.memory_space<hbm>>) dst(%arg6 : memref<128xi32, #tpu.memory_space<vmem>>)
      tpu.yield
    }) : () -> ()
    "tpu.region"() ({
      %run_scoped3A = tpu.sem_alloc : memref<!tpu.dma_semaphore, #tpu.memory_space<semaphore_mem>>
      %dma_start3A = arith.constant 0 : i32
      %dma_start3A_28 = tpu.memref_slice %arg2[%add3A_16, %dma_start3A] : memref<32768x128xf32, #tpu.memory_space<hbm>> -> memref<128x128xf32, #tpu.memory_space<hbm>>
      %dma_start3A_29 = arith.constant 0 : i32
      %dma_start3A_30 = tpu.memref_slice %arg2[%add3A_16, %dma_start3A_29] : memref<32768x128xf32, #tpu.memory_space<hbm>> -> memref<128x128xf32, #tpu.memory_space<hbm>>
      tpu.enqueue_dma source(%dma_start3A_30 : memref<128x128xf32, #tpu.memory_space<hbm>>) target(%arg7 : memref<128x128xf32, #tpu.memory_space<vmem>>) target_semaphore(%run_scoped3A : memref<!tpu.dma_semaphore, #tpu.memory_space<semaphore_mem>>)
      %dma_wait3A = arith.constant 0 : i32
      %dma_wait3A_31 = tpu.memref_slice %arg2[%add3A_16, %dma_wait3A] : memref<32768x128xf32, #tpu.memory_space<hbm>> -> memref<128x128xf32, #tpu.memory_space<hbm>>
      %dma_wait3A_32 = arith.constant 0 : i32
      %dma_wait3A_33 = tpu.memref_slice %arg2[%add3A_16, %dma_wait3A_32] : memref<32768x128xf32, #tpu.memory_space<hbm>> -> memref<128x128xf32, #tpu.memory_space<hbm>>
      tpu.wait_dma2 semaphore(%run_scoped3A : memref<!tpu.dma_semaphore, #tpu.memory_space<semaphore_mem>>) src(%dma_wait3A_33 : memref<128x128xf32, #tpu.memory_space<hbm>>) dst(%arg7 : memref<128x128xf32, #tpu.memory_space<vmem>>)
      tpu.yield
    }) : () -> ()
    "tpu.region"() ({
      %run_scoped3A = tpu.sem_alloc : memref<!tpu.dma_semaphore, #tpu.memory_space<semaphore_mem>>
      %dma_start3A = arith.constant 0 : i32
      %dma_start3A_28 = arith.constant 0 : i32
      %dma_start3A_29 = tpu.memref_slice %arg8[%dma_start3A, %dma_start3A_28] : memref<1024x128xf32, #tpu.memory_space<vmem_shared>> -> memref<1024x128xf32, #tpu.memory_space<vmem_shared>>
      tpu.enqueue_indirect_dma source(%arg7 : memref<128x128xf32, #tpu.memory_space<vmem>>) target(%dma_start3A_29 : memref<1024x128xf32, #tpu.memory_space<vmem_shared>>) offsets(%arg6 : memref<128xi32, #tpu.memory_space<vmem>>) semaphore(%run_scoped3A : memref<!tpu.dma_semaphore, #tpu.memory_space<semaphore_mem>>) {add = true}
      %dma_wait3A = arith.constant 0 : i32
      %dma_wait3A_30 = arith.constant 0 : i32
      %dma_wait3A_31 = tpu.memref_slice %arg8[%dma_wait3A, %dma_wait3A_30] : memref<1024x128xf32, #tpu.memory_space<vmem_shared>> -> memref<1024x128xf32, #tpu.memory_space<vmem_shared>>
      tpu.wait_indirect_dma semaphore(%run_scoped3A : memref<!tpu.dma_semaphore, #tpu.memory_space<semaphore_mem>>) src(%arg7 : memref<128x128xf32, #tpu.memory_space<vmem>>) dst(%dma_wait3A_31 : memref<1024x128xf32, #tpu.memory_space<vmem_shared>>)
      tpu.yield
    }) : () -> ()
    %add3A_17 = arith.constant 640 : i32
    %add3A_18 = arith.addi %mul3A_2, %add3A_17 : i32
    "tpu.region"() ({
      %run_scoped3A = tpu.sem_alloc : memref<!tpu.dma_semaphore, #tpu.memory_space<semaphore_mem>>
      %dma_start3A = tpu.memref_slice %arg3[%add3A_18] : memref<32768xi32, #tpu.memory_space<hbm>> -> memref<128xi32, #tpu.memory_space<hbm>>
      %dma_start3A_28 = tpu.memref_slice %arg3[%add3A_18] : memref<32768xi32, #tpu.memory_space<hbm>> -> memref<128xi32, #tpu.memory_space<hbm>>
      tpu.enqueue_dma source(%dma_start3A_28 : memref<128xi32, #tpu.memory_space<hbm>>) target(%arg6 : memref<128xi32, #tpu.memory_space<vmem>>) target_semaphore(%run_scoped3A : memref<!tpu.dma_semaphore, #tpu.memory_space<semaphore_mem>>)
      %dma_wait3A = tpu.memref_slice %arg3[%add3A_18] : memref<32768xi32, #tpu.memory_space<hbm>> -> memref<128xi32, #tpu.memory_space<hbm>>
      %dma_wait3A_29 = tpu.memref_slice %arg3[%add3A_18] : memref<32768xi32, #tpu.memory_space<hbm>> -> memref<128xi32, #tpu.memory_space<hbm>>
      tpu.wait_dma2 semaphore(%run_scoped3A : memref<!tpu.dma_semaphore, #tpu.memory_space<semaphore_mem>>) src(%dma_wait3A_29 : memref<128xi32, #tpu.memory_space<hbm>>) dst(%arg6 : memref<128xi32, #tpu.memory_space<vmem>>)
      tpu.yield
    }) : () -> ()
    "tpu.region"() ({
      %run_scoped3A = tpu.sem_alloc : memref<!tpu.dma_semaphore, #tpu.memory_space<semaphore_mem>>
      %dma_start3A = arith.constant 0 : i32
      %dma_start3A_28 = tpu.memref_slice %arg2[%add3A_18, %dma_start3A] : memref<32768x128xf32, #tpu.memory_space<hbm>> -> memref<128x128xf32, #tpu.memory_space<hbm>>
      %dma_start3A_29 = arith.constant 0 : i32
      %dma_start3A_30 = tpu.memref_slice %arg2[%add3A_18, %dma_start3A_29] : memref<32768x128xf32, #tpu.memory_space<hbm>> -> memref<128x128xf32, #tpu.memory_space<hbm>>
      tpu.enqueue_dma source(%dma_start3A_30 : memref<128x128xf32, #tpu.memory_space<hbm>>) target(%arg7 : memref<128x128xf32, #tpu.memory_space<vmem>>) target_semaphore(%run_scoped3A : memref<!tpu.dma_semaphore, #tpu.memory_space<semaphore_mem>>)
      %dma_wait3A = arith.constant 0 : i32
      %dma_wait3A_31 = tpu.memref_slice %arg2[%add3A_18, %dma_wait3A] : memref<32768x128xf32, #tpu.memory_space<hbm>> -> memref<128x128xf32, #tpu.memory_space<hbm>>
      %dma_wait3A_32 = arith.constant 0 : i32
      %dma_wait3A_33 = tpu.memref_slice %arg2[%add3A_18, %dma_wait3A_32] : memref<32768x128xf32, #tpu.memory_space<hbm>> -> memref<128x128xf32, #tpu.memory_space<hbm>>
      tpu.wait_dma2 semaphore(%run_scoped3A : memref<!tpu.dma_semaphore, #tpu.memory_space<semaphore_mem>>) src(%dma_wait3A_33 : memref<128x128xf32, #tpu.memory_space<hbm>>) dst(%arg7 : memref<128x128xf32, #tpu.memory_space<vmem>>)
      tpu.yield
    }) : () -> ()
    "tpu.region"() ({
      %run_scoped3A = tpu.sem_alloc : memref<!tpu.dma_semaphore, #tpu.memory_space<semaphore_mem>>
      %dma_start3A = arith.constant 0 : i32
      %dma_start3A_28 = arith.constant 0 : i32
      %dma_start3A_29 = tpu.memref_slice %arg8[%dma_start3A, %dma_start3A_28] : memref<1024x128xf32, #tpu.memory_space<vmem_shared>> -> memref<1024x128xf32, #tpu.memory_space<vmem_shared>>
      tpu.enqueue_indirect_dma source(%arg7 : memref<128x128xf32, #tpu.memory_space<vmem>>) target(%dma_start3A_29 : memref<1024x128xf32, #tpu.memory_space<vmem_shared>>) offsets(%arg6 : memref<128xi32, #tpu.memory_space<vmem>>) semaphore(%run_scoped3A : memref<!tpu.dma_semaphore, #tpu.memory_space<semaphore_mem>>) {add = true}
      %dma_wait3A = arith.constant 0 : i32
      %dma_wait3A_30 = arith.constant 0 : i32
      %dma_wait3A_31 = tpu.memref_slice %arg8[%dma_wait3A, %dma_wait3A_30] : memref<1024x128xf32, #tpu.memory_space<vmem_shared>> -> memref<1024x128xf32, #tpu.memory_space<vmem_shared>>
      tpu.wait_indirect_dma semaphore(%run_scoped3A : memref<!tpu.dma_semaphore, #tpu.memory_space<semaphore_mem>>) src(%arg7 : memref<128x128xf32, #tpu.memory_space<vmem>>) dst(%dma_wait3A_31 : memref<1024x128xf32, #tpu.memory_space<vmem_shared>>)
      tpu.yield
    }) : () -> ()
    %add3A_19 = arith.constant 768 : i32
    %add3A_20 = arith.addi %mul3A_2, %add3A_19 : i32
    "tpu.region"() ({
      %run_scoped3A = tpu.sem_alloc : memref<!tpu.dma_semaphore, #tpu.memory_space<semaphore_mem>>
      %dma_start3A = tpu.memref_slice %arg3[%add3A_20] : memref<32768xi32, #tpu.memory_space<hbm>> -> memref<128xi32, #tpu.memory_space<hbm>>
      %dma_start3A_28 = tpu.memref_slice %arg3[%add3A_20] : memref<32768xi32, #tpu.memory_space<hbm>> -> memref<128xi32, #tpu.memory_space<hbm>>
      tpu.enqueue_dma source(%dma_start3A_28 : memref<128xi32, #tpu.memory_space<hbm>>) target(%arg6 : memref<128xi32, #tpu.memory_space<vmem>>) target_semaphore(%run_scoped3A : memref<!tpu.dma_semaphore, #tpu.memory_space<semaphore_mem>>)
      %dma_wait3A = tpu.memref_slice %arg3[%add3A_20] : memref<32768xi32, #tpu.memory_space<hbm>> -> memref<128xi32, #tpu.memory_space<hbm>>
      %dma_wait3A_29 = tpu.memref_slice %arg3[%add3A_20] : memref<32768xi32, #tpu.memory_space<hbm>> -> memref<128xi32, #tpu.memory_space<hbm>>
      tpu.wait_dma2 semaphore(%run_scoped3A : memref<!tpu.dma_semaphore, #tpu.memory_space<semaphore_mem>>) src(%dma_wait3A_29 : memref<128xi32, #tpu.memory_space<hbm>>) dst(%arg6 : memref<128xi32, #tpu.memory_space<vmem>>)
      tpu.yield
    }) : () -> ()
    "tpu.region"() ({
      %run_scoped3A = tpu.sem_alloc : memref<!tpu.dma_semaphore, #tpu.memory_space<semaphore_mem>>
      %dma_start3A = arith.constant 0 : i32
      %dma_start3A_28 = tpu.memref_slice %arg2[%add3A_20, %dma_start3A] : memref<32768x128xf32, #tpu.memory_space<hbm>> -> memref<128x128xf32, #tpu.memory_space<hbm>>
      %dma_start3A_29 = arith.constant 0 : i32
      %dma_start3A_30 = tpu.memref_slice %arg2[%add3A_20, %dma_start3A_29] : memref<32768x128xf32, #tpu.memory_space<hbm>> -> memref<128x128xf32, #tpu.memory_space<hbm>>
      tpu.enqueue_dma source(%dma_start3A_30 : memref<128x128xf32, #tpu.memory_space<hbm>>) target(%arg7 : memref<128x128xf32, #tpu.memory_space<vmem>>) target_semaphore(%run_scoped3A : memref<!tpu.dma_semaphore, #tpu.memory_space<semaphore_mem>>)
      %dma_wait3A = arith.constant 0 : i32
      %dma_wait3A_31 = tpu.memref_slice %arg2[%add3A_20, %dma_wait3A] : memref<32768x128xf32, #tpu.memory_space<hbm>> -> memref<128x128xf32, #tpu.memory_space<hbm>>
      %dma_wait3A_32 = arith.constant 0 : i32
      %dma_wait3A_33 = tpu.memref_slice %arg2[%add3A_20, %dma_wait3A_32] : memref<32768x128xf32, #tpu.memory_space<hbm>> -> memref<128x128xf32, #tpu.memory_space<hbm>>
      tpu.wait_dma2 semaphore(%run_scoped3A : memref<!tpu.dma_semaphore, #tpu.memory_space<semaphore_mem>>) src(%dma_wait3A_33 : memref<128x128xf32, #tpu.memory_space<hbm>>) dst(%arg7 : memref<128x128xf32, #tpu.memory_space<vmem>>)
      tpu.yield
    }) : () -> ()
    "tpu.region"() ({
      %run_scoped3A = tpu.sem_alloc : memref<!tpu.dma_semaphore, #tpu.memory_space<semaphore_mem>>
      %dma_start3A = arith.constant 0 : i32
      %dma_start3A_28 = arith.constant 0 : i32
      %dma_start3A_29 = tpu.memref_slice %arg8[%dma_start3A, %dma_start3A_28] : memref<1024x128xf32, #tpu.memory_space<vmem_shared>> -> memref<1024x128xf32, #tpu.memory_space<vmem_shared>>
      tpu.enqueue_indirect_dma source(%arg7 : memref<128x128xf32, #tpu.memory_space<vmem>>) target(%dma_start3A_29 : memref<1024x128xf32, #tpu.memory_space<vmem_shared>>) offsets(%arg6 : memref<128xi32, #tpu.memory_space<vmem>>) semaphore(%run_scoped3A : memref<!tpu.dma_semaphore, #tpu.memory_space<semaphore_mem>>) {add = true}
      %dma_wait3A = arith.constant 0 : i32
      %dma_wait3A_30 = arith.constant 0 : i32
      %dma_wait3A_31 = tpu.memref_slice %arg8[%dma_wait3A, %dma_wait3A_30] : memref<1024x128xf32, #tpu.memory_space<vmem_shared>> -> memref<1024x128xf32, #tpu.memory_space<vmem_shared>>
      tpu.wait_indirect_dma semaphore(%run_scoped3A : memref<!tpu.dma_semaphore, #tpu.memory_space<semaphore_mem>>) src(%arg7 : memref<128x128xf32, #tpu.memory_space<vmem>>) dst(%dma_wait3A_31 : memref<1024x128xf32, #tpu.memory_space<vmem_shared>>)
      tpu.yield
    }) : () -> ()
    %add3A_21 = arith.constant 896 : i32
    %add3A_22 = arith.addi %mul3A_2, %add3A_21 : i32
    "tpu.region"() ({
      %run_scoped3A = tpu.sem_alloc : memref<!tpu.dma_semaphore, #tpu.memory_space<semaphore_mem>>
      %dma_start3A = tpu.memref_slice %arg3[%add3A_22] : memref<32768xi32, #tpu.memory_space<hbm>> -> memref<128xi32, #tpu.memory_space<hbm>>
      %dma_start3A_28 = tpu.memref_slice %arg3[%add3A_22] : memref<32768xi32, #tpu.memory_space<hbm>> -> memref<128xi32, #tpu.memory_space<hbm>>
      tpu.enqueue_dma source(%dma_start3A_28 : memref<128xi32, #tpu.memory_space<hbm>>) target(%arg6 : memref<128xi32, #tpu.memory_space<vmem>>) target_semaphore(%run_scoped3A : memref<!tpu.dma_semaphore, #tpu.memory_space<semaphore_mem>>)
      %dma_wait3A = tpu.memref_slice %arg3[%add3A_22] : memref<32768xi32, #tpu.memory_space<hbm>> -> memref<128xi32, #tpu.memory_space<hbm>>
      %dma_wait3A_29 = tpu.memref_slice %arg3[%add3A_22] : memref<32768xi32, #tpu.memory_space<hbm>> -> memref<128xi32, #tpu.memory_space<hbm>>
      tpu.wait_dma2 semaphore(%run_scoped3A : memref<!tpu.dma_semaphore, #tpu.memory_space<semaphore_mem>>) src(%dma_wait3A_29 : memref<128xi32, #tpu.memory_space<hbm>>) dst(%arg6 : memref<128xi32, #tpu.memory_space<vmem>>)
      tpu.yield
    }) : () -> ()
    "tpu.region"() ({
      %run_scoped3A = tpu.sem_alloc : memref<!tpu.dma_semaphore, #tpu.memory_space<semaphore_mem>>
      %dma_start3A = arith.constant 0 : i32
      %dma_start3A_28 = tpu.memref_slice %arg2[%add3A_22, %dma_start3A] : memref<32768x128xf32, #tpu.memory_space<hbm>> -> memref<128x128xf32, #tpu.memory_space<hbm>>
      %dma_start3A_29 = arith.constant 0 : i32
      %dma_start3A_30 = tpu.memref_slice %arg2[%add3A_22, %dma_start3A_29] : memref<32768x128xf32, #tpu.memory_space<hbm>> -> memref<128x128xf32, #tpu.memory_space<hbm>>
      tpu.enqueue_dma source(%dma_start3A_30 : memref<128x128xf32, #tpu.memory_space<hbm>>) target(%arg7 : memref<128x128xf32, #tpu.memory_space<vmem>>) target_semaphore(%run_scoped3A : memref<!tpu.dma_semaphore, #tpu.memory_space<semaphore_mem>>)
      %dma_wait3A = arith.constant 0 : i32
      %dma_wait3A_31 = tpu.memref_slice %arg2[%add3A_22, %dma_wait3A] : memref<32768x128xf32, #tpu.memory_space<hbm>> -> memref<128x128xf32, #tpu.memory_space<hbm>>
      %dma_wait3A_32 = arith.constant 0 : i32
      %dma_wait3A_33 = tpu.memref_slice %arg2[%add3A_22, %dma_wait3A_32] : memref<32768x128xf32, #tpu.memory_space<hbm>> -> memref<128x128xf32, #tpu.memory_space<hbm>>
      tpu.wait_dma2 semaphore(%run_scoped3A : memref<!tpu.dma_semaphore, #tpu.memory_space<semaphore_mem>>) src(%dma_wait3A_33 : memref<128x128xf32, #tpu.memory_space<hbm>>) dst(%arg7 : memref<128x128xf32, #tpu.memory_space<vmem>>)
      tpu.yield
    }) : () -> ()
    "tpu.region"() ({
      %run_scoped3A = tpu.sem_alloc : memref<!tpu.dma_semaphore, #tpu.memory_space<semaphore_mem>>
      %dma_start3A = arith.constant 0 : i32
      %dma_start3A_28 = arith.constant 0 : i32
      %dma_start3A_29 = tpu.memref_slice %arg8[%dma_start3A, %dma_start3A_28] : memref<1024x128xf32, #tpu.memory_space<vmem_shared>> -> memref<1024x128xf32, #tpu.memory_space<vmem_shared>>
      tpu.enqueue_indirect_dma source(%arg7 : memref<128x128xf32, #tpu.memory_space<vmem>>) target(%dma_start3A_29 : memref<1024x128xf32, #tpu.memory_space<vmem_shared>>) offsets(%arg6 : memref<128xi32, #tpu.memory_space<vmem>>) semaphore(%run_scoped3A : memref<!tpu.dma_semaphore, #tpu.memory_space<semaphore_mem>>) {add = true}
      %dma_wait3A = arith.constant 0 : i32
      %dma_wait3A_30 = arith.constant 0 : i32
      %dma_wait3A_31 = tpu.memref_slice %arg8[%dma_wait3A, %dma_wait3A_30] : memref<1024x128xf32, #tpu.memory_space<vmem_shared>> -> memref<1024x128xf32, #tpu.memory_space<vmem_shared>>
      tpu.wait_indirect_dma semaphore(%run_scoped3A : memref<!tpu.dma_semaphore, #tpu.memory_space<semaphore_mem>>) src(%arg7 : memref<128x128xf32, #tpu.memory_space<vmem>>) dst(%dma_wait3A_31 : memref<1024x128xf32, #tpu.memory_space<vmem_shared>>)
      tpu.yield
    }) : () -> ()
    %barrier3A_23 = arith.constant 0 : index
    tpu.barrier barrier_id(%barrier3A_23)
    %mul3A_24 = arith.constant 64 : i32
    %mul3A_25 = arith.muli %arg1, %mul3A_24 : i32
    %mul3A_26 = arith.constant 64 : i32
    %mul3A_27 = arith.muli %arg1, %mul3A_26 : i32
    "tpu.region"() ({
      %run_scoped3A = tpu.sem_alloc : memref<!tpu.dma_semaphore, #tpu.memory_space<semaphore_mem>>
      %dma_start3A = arith.constant 0 : i32
      %dma_start3A_28 = tpu.memref_slice %arg5[%arg0, %mul3A_27, %dma_start3A] : memref<2x1024x128xf32, #tpu.memory_space<hbm>> -> memref<1x64x128xf32, #tpu.memory_space<hbm>>
      %dma_start3A_29 = tpu.memref_squeeze %dma_start3A_28 : memref<1x64x128xf32, #tpu.memory_space<hbm>> -> memref<64x128xf32, #tpu.memory_space<hbm>>
      %dma_start3A_30 = arith.constant 0 : i32
      %dma_start3A_31 = tpu.memref_slice %arg8[%mul3A_25, %dma_start3A_30] : memref<1024x128xf32, #tpu.memory_space<vmem_shared>> -> memref<64x128xf32, #tpu.memory_space<vmem_shared>>
      tpu.enqueue_dma source(%dma_start3A_31 : memref<64x128xf32, #tpu.memory_space<vmem_shared>>) target(%dma_start3A_29 : memref<64x128xf32, #tpu.memory_space<hbm>>) target_semaphore(%run_scoped3A : memref<!tpu.dma_semaphore, #tpu.memory_space<semaphore_mem>>)
      %dma_wait3A = arith.constant 0 : i32
      %dma_wait3A_32 = tpu.memref_slice %arg5[%arg0, %mul3A_27, %dma_wait3A] : memref<2x1024x128xf32, #tpu.memory_space<hbm>> -> memref<1x64x128xf32, #tpu.memory_space<hbm>>
      %dma_wait3A_33 = tpu.memref_squeeze %dma_wait3A_32 : memref<1x64x128xf32, #tpu.memory_space<hbm>> -> memref<64x128xf32, #tpu.memory_space<hbm>>
      %dma_wait3A_34 = arith.constant 0 : i32
      %dma_wait3A_35 = tpu.memref_slice %arg8[%mul3A_25, %dma_wait3A_34] : memref<1024x128xf32, #tpu.memory_space<vmem_shared>> -> memref<64x128xf32, #tpu.memory_space<vmem_shared>>
      tpu.wait_dma2 semaphore(%run_scoped3A : memref<!tpu.dma_semaphore, #tpu.memory_space<semaphore_mem>>) src(%dma_wait3A_35 : memref<64x128xf32, #tpu.memory_space<vmem_shared>>) dst(%dma_wait3A_33 : memref<64x128xf32, #tpu.memory_space<hbm>>)
      tpu.yield
    }) : () -> ()
    return
  }
}

module attributes {stable_mosaic.version = 14 : i64} {
  func.func @_stage_c(%arg0: memref<2x1024x128xf32, #tpu.memory_space<vmem>>, %arg1: memref<8x1024xf32, #tpu.memory_space<vmem>>, %arg2: memref<1024x128xf32, #tpu.memory_space<vmem>>, %arg3: memref<1000x128xf32, #tpu.memory_space<vmem>>) attributes {dimension_semantics = [], scalar_prefetch = 0 : i64, scratch_operands = 0 : i64, tpu.core_type = #tpu.core_type<tc>} {
    %get3A = arith.constant 0 : index
    %get3A_0 = arith.constant 0 : index
    %get3A_1 = arith.constant 0 : index
    %get3A_2 = vector.load %arg0[%get3A, %get3A_0, %get3A_1] : memref<2x1024x128xf32, #tpu.memory_space<vmem>>, vector<1x1024x128xf32>
    %get3A_3 = vector.shape_cast %get3A_2 : vector<1x1024x128xf32> to vector<1024x128xf32>
    %get3A_4 = arith.constant 1 : index
    %get3A_5 = arith.constant 0 : index
    %get3A_6 = arith.constant 0 : index
    %get3A_7 = vector.load %arg0[%get3A_4, %get3A_5, %get3A_6] : memref<2x1024x128xf32, #tpu.memory_space<vmem>>, vector<1x1024x128xf32>
    %get3A_8 = vector.shape_cast %get3A_7 : vector<1x1024x128xf32> to vector<1024x128xf32>
    %add3A = arith.addf %get3A_3, %get3A_8 : vector<1024x128xf32>
    %get3A_9 = arith.constant 0 : index
    %get3A_10 = arith.constant 0 : index
    %get3A_11 = vector.load %arg1[%get3A_9, %get3A_10] : memref<8x1024xf32, #tpu.memory_space<vmem>>, vector<1x1024xf32>
    %neg3A = arith.constant 0.000000e+00 : f32
    %neg3A_12 = vector.broadcast %neg3A : f32 to vector<1x1024xf32>
    %neg3A_13 = arith.subf %neg3A_12, %get3A_11 : vector<1x1024xf32>
    %exp3A = math.exp %neg3A_13 : vector<1x1024xf32>
    %transpose3A = tpu.transpose %exp3A, [1, 0] : vector<1x1024xf32> -> vector<1024x1xf32>
    %mul3A = arith.constant 9.99999974E-6 : f32
    %mul3A_14 = vector.broadcast %mul3A : f32 to vector<1024x1xf32>
    %mul3A_15 = arith.mulf %mul3A_14, %transpose3A : vector<1024x1xf32>
    %mul3A_16 = vector.broadcast %mul3A_15 : vector<1024x1xf32> to vector<1024x128xf32>
    %mul3A_17 = arith.mulf %mul3A_16, %add3A : vector<1024x128xf32>
    %get3A_18 = arith.constant 0 : index
    %get3A_19 = arith.constant 0 : index
    %get3A_20 = vector.load %arg2[%get3A_18, %get3A_19] : memref<1024x128xf32, #tpu.memory_space<vmem>>, vector<1024x128xf32>
    %add3A_21 = arith.addf %mul3A_17, %get3A_20 : vector<1024x128xf32>
    %mul3A_22 = arith.mulf %add3A_21, %add3A_21 : vector<1024x128xf32>
    %reduce_sum3A = arith.constant dense<0.000000e+00> : vector<1024xf32>
    %reduce_sum3A_23 = vector.multi_reduction <add>, %mul3A_22, %reduce_sum3A [1] : vector<1024x128xf32> to vector<1024xf32>
    %broadcast_in_dim3A = vector.shape_cast %reduce_sum3A_23 : vector<1024xf32> to vector<1024x1xf32>
    %max3A = arith.constant 1.000000e-24 : f32
    %max3A_24 = vector.broadcast %max3A : f32 to vector<1024x1xf32>
    %max3A_25 = arith.maximumf %broadcast_in_dim3A, %max3A_24 : vector<1024x1xf32>
    %rsqrt3A = math.rsqrt %max3A_25 : vector<1024x1xf32>
    %mul3A_26 = vector.broadcast %rsqrt3A : vector<1024x1xf32> to vector<1024x128xf32>
    %mul3A_27 = arith.mulf %add3A_21, %mul3A_26 : vector<1024x128xf32>
    %slice3A = vector.extract_strided_slice %mul3A_27 {offsets = [0, 0], sizes = [1000, 128], strides = [1, 1]} : vector<1024x128xf32> to vector<1000x128xf32>
    %swap3A = arith.constant 0 : index
    %swap3A_28 = arith.constant 0 : index
    %swap3A_29 = vector.load %arg3[%swap3A, %swap3A_28] : memref<1000x128xf32, #tpu.memory_space<vmem>>, vector<1000x128xf32>
    tpu.vector_store %arg3[%swap3A, %swap3A_28], %slice3A {strides = array<i32>} : memref<1000x128xf32, #tpu.memory_space<vmem>>, vector<1000x128xf32>,
    return
  }
}

module attributes {stable_mosaic.version = 14 : i64} {
  func.func @_stage_a(%arg0: i32, %arg1: memref<4096x128xf32, #tpu.memory_space<vmem>>, %arg2: memref<1024x128xf32, #tpu.memory_space<vmem>>, %arg3: memref<4096x128xf32, #tpu.memory_space<vmem>>, %arg4: memref<4096x8xi32, #tpu.memory_space<vmem>>, %arg5: memref<8x1024xf32, #tpu.memory_space<vmem>>, %arg6: memref<1024x128xbf16, #tpu.memory_space<vmem>>, %arg7: memref<1x1024xf32, #tpu.memory_space<vmem>>) attributes {dimension_semantics = [#tpu.dimension_semantics<arbitrary>], iteration_bounds = array<i64: 8>, scalar_prefetch = 0 : i64, scratch_operands = 2 : i64, tpu.core_type = #tpu.core_type<tc>, window_params = [{transform_indices = @transform_0, window_bounds = array<i64: 4096, 128>}, {pipeline_mode = #tpu.pipeline_mode<synchronous>, transform_indices = @transform_1, window_bounds = array<i64: 1024, 128>}, {transform_indices = @transform_2, window_bounds = array<i64: 4096, 128>}, {pipeline_mode = #tpu.pipeline_mode<synchronous>, transform_indices = @transform_3, window_bounds = array<i64: 4096, 8>}, {pipeline_mode = #tpu.pipeline_mode<synchronous>, transform_indices = @transform_4, window_bounds = array<i64: 8, 1024>}]} {
    %eq3A = arith.constant 0 : i32
    %eq3A_0 = arith.cmpi eq, %arg0, %eq3A : i32
    %convert_element_type3A = arith.extui %eq3A_0 : i1 to i32
    %cond3A = arith.constant 0 : i32
    %cond3A_1 = arith.cmpi ne, %convert_element_type3A, %cond3A : i32
    scf.if %cond3A_1 {
      %broadcast_in_dim3A_59 = arith.constant -1.000000e+30 : f32
      %broadcast_in_dim3A_60 = vector.broadcast %broadcast_in_dim3A_59 : f32 to vector<1x1024xf32>
      %swap3A_61 = arith.constant 0 : index
      %swap3A_62 = arith.constant 0 : index
      %swap3A_63 = vector.load %arg7[%swap3A_61, %swap3A_62] : memref<1x1024xf32, #tpu.memory_space<vmem>>, vector<1x1024xf32>
      tpu.vector_store %arg7[%swap3A_61, %swap3A_62], %broadcast_in_dim3A_60 {strides = array<i32>} : memref<1x1024xf32, #tpu.memory_space<vmem>>, vector<1x1024xf32>,
      %get3A_64 = arith.constant 0 : index
      %get3A_65 = arith.constant 0 : index
      %get3A_66 = vector.load %arg2[%get3A_64, %get3A_65] : memref<1024x128xf32, #tpu.memory_space<vmem>>, vector<1024x128xf32>
      %convert_element_type3A_67 = arith.truncf %get3A_66 : vector<1024x128xf32> to vector<1024x128xbf16>
      %swap3A_68 = arith.constant 0 : index
      %swap3A_69 = arith.constant 0 : index
      %swap3A_70 = vector.load %arg6[%swap3A_68, %swap3A_69] : memref<1024x128xbf16, #tpu.memory_space<vmem>>, vector<1024x128xbf16>
      tpu.vector_store %arg6[%swap3A_68, %swap3A_69], %convert_element_type3A_67 {strides = array<i32>} : memref<1024x128xbf16, #tpu.memory_space<vmem>>, vector<1024x128xbf16>,
    } else {
    }
    %get3A = arith.constant 0 : index
    %get3A_2 = arith.constant 0 : index
    %get3A_3 = vector.load %arg1[%get3A, %get3A_2] : memref<4096x128xf32, #tpu.memory_space<vmem>>, vector<4096x128xf32>
    %broadcast_in_dim3A = arith.constant 1.000000e+00 : bf16
    %broadcast_in_dim3A_4 = vector.broadcast %broadcast_in_dim3A : bf16 to vector<128x128xbf16>
    %mul3A = arith.mulf %get3A_3, %get3A_3 : vector<4096x128xf32>
    %convert_element_type3A_5 = arith.truncf %mul3A : vector<4096x128xf32> to vector<4096x128xbf16>
    %dot_general3A = arith.constant dense<0.000000e+00> : vector<4096x128xf32>
    %dot_general3A_6 = tpu.matmul %convert_element_type3A_5, %broadcast_in_dim3A_4, %dot_general3A {dimension_numbers = #tpu.dot_dimension_numbers<[1], [0], [0], [1], [0, 0, 1, 1], [], []>, transpose_lhs_hint = false} : vector<4096x128xbf16>, vector<128x128xbf16>, vector<4096x128xf32> -> vector<4096x128xf32>
    %max3A = arith.constant 1.000000e-24 : f32
    %max3A_7 = vector.broadcast %max3A : f32 to vector<4096x128xf32>
    %max3A_8 = arith.maximumf %dot_general3A_6, %max3A_7 : vector<4096x128xf32>
    %rsqrt3A = math.rsqrt %max3A_8 : vector<4096x128xf32>
    %mul3A_9 = arith.mulf %get3A_3, %rsqrt3A : vector<4096x128xf32>
    %convert_element_type3A_10 = arith.truncf %mul3A_9 : vector<4096x128xf32> to vector<4096x128xbf16>
    %get3A_11 = arith.constant 0 : index
    %get3A_12 = arith.constant 0 : index
    %get3A_13 = vector.load %arg6[%get3A_11, %get3A_12] : memref<1024x128xbf16, #tpu.memory_space<vmem>>, vector<1024x128xbf16>
    %transpose3A = tpu.transpose %get3A_13, [1, 0] : vector<1024x128xbf16> -> vector<128x1024xbf16>
    %dot_general3A_14 = arith.constant dense<0.000000e+00> : vector<4096x1024xf32>
    %dot_general3A_15 = tpu.matmul %convert_element_type3A_10, %transpose3A, %dot_general3A_14 {dimension_numbers = #tpu.dot_dimension_numbers<[1], [0], [0], [1], [0, 0, 1, 1], [], []>, transpose_lhs_hint = false} : vector<4096x128xbf16>, vector<128x1024xbf16>, vector<4096x1024xf32> -> vector<4096x1024xf32>
    %iota3A = tpu.iota {dimensions = array<i32: 1>} : vector<4096x1024xi32>
    %lt3A = arith.constant 1000 : i32
    %lt3A_16 = vector.broadcast %lt3A : i32 to vector<4096x1024xi32>
    %lt3A_17 = arith.cmpi slt, %iota3A, %lt3A_16 : vector<4096x1024xi32>
    %jit3A = arith.constant -1.000000e+30 : f32
    %broadcast_in_dim3A_18 = vector.broadcast %jit3A : f32 to vector<4096x1024xf32>
    %select_n3A = arith.select %lt3A_17, %dot_general3A_15, %broadcast_in_dim3A_18 : vector<4096x1024xi1>, vector<4096x1024xf32>
    %reduce_max3A = arith.constant dense<0xFF800000> : vector<4096xf32>
    %reduce_max3A_19 = vector.multi_reduction <maximumf>, %select_n3A, %reduce_max3A [1] : vector<4096x1024xf32> to vector<4096xf32>
    %broadcast_in_dim3A_20 = vector.shape_cast %reduce_max3A_19 : vector<4096xf32> to vector<4096x1xf32>
    %eq3A_21 = vector.broadcast %broadcast_in_dim3A_20 : vector<4096x1xf32> to vector<4096x1024xf32>
    %eq3A_22 = arith.cmpf oeq, %select_n3A, %eq3A_21 : vector<4096x1024xf32>
    %jit3A_23 = arith.constant 1024 : i32
    %broadcast_in_dim3A_24 = vector.broadcast %jit3A_23 : i32 to vector<4096x1024xi32>
    %select_n3A_25 = arith.select %eq3A_22, %iota3A, %broadcast_in_dim3A_24 : vector<4096x1024xi1>, vector<4096x1024xi32>
    %reduce_min3A = arith.constant dense<2147483647> : vector<4096xi32>
    %reduce_min3A_26 = vector.multi_reduction <minsi>, %select_n3A_25, %reduce_min3A [1] : vector<4096x1024xi32> to vector<4096xi32>
    %broadcast_in_dim3A_27 = vector.shape_cast %reduce_min3A_26 : vector<4096xi32> to vector<4096x1xi32>
    %get3A_28 = arith.constant 0 : index
    %get3A_29 = arith.constant 0 : index
    %get3A_30 = vector.load %arg7[%get3A_28, %get3A_29] : memref<1x1024xf32, #tpu.memory_space<vmem>>, vector<1x1024xf32>
    %reduce_max3A_31 = arith.constant dense<0xFF800000> : vector<1024xf32>
    %reduce_max3A_32 = vector.multi_reduction <maximumf>, %select_n3A, %reduce_max3A_31 [0] : vector<4096x1024xf32> to vector<1024xf32>
    %broadcast_in_dim3A_33 = vector.shape_cast %reduce_max3A_32 : vector<1024xf32> to vector<1x1024xf32>
    %max3A_34 = arith.maximumf %get3A_30, %broadcast_in_dim3A_33 : vector<1x1024xf32>
    %swap3A = arith.constant 0 : index
    %swap3A_35 = arith.constant 0 : index
    %swap3A_36 = vector.load %arg7[%swap3A, %swap3A_35] : memref<1x1024xf32, #tpu.memory_space<vmem>>, vector<1x1024xf32>
    tpu.vector_store %arg7[%swap3A, %swap3A_35], %max3A_34 {strides = array<i32>} : memref<1x1024xf32, #tpu.memory_space<vmem>>, vector<1x1024xf32>,
    %exp3A = math.exp %broadcast_in_dim3A_20 : vector<4096x1xf32>
    %mul3A_37 = vector.broadcast %exp3A : vector<4096x1xf32> to vector<4096x128xf32>
    %mul3A_38 = arith.mulf %mul3A_9, %mul3A_37 : vector<4096x128xf32>
    %swap3A_39 = arith.constant 0 : index
    %swap3A_40 = arith.constant 0 : index
    %swap3A_41 = vector.load %arg3[%swap3A_39, %swap3A_40] : memref<4096x128xf32, #tpu.memory_space<vmem>>, vector<4096x128xf32>
    tpu.vector_store %arg3[%swap3A_39, %swap3A_40], %mul3A_38 {strides = array<i32>} : memref<4096x128xf32, #tpu.memory_space<vmem>>, vector<4096x128xf32>,
    %iota3A_42 = tpu.iota {dimensions = array<i32: 1>} : vector<4096x8xi32>
    %eq3A_43 = vector.broadcast %arg0 : i32 to vector<4096x8xi32>
    %eq3A_44 = arith.cmpi eq, %iota3A_42, %eq3A_43 : vector<4096x8xi32>
    %get3A_45 = arith.constant 0 : index
    %get3A_46 = arith.constant 0 : index
    %get3A_47 = vector.load %arg4[%get3A_45, %get3A_46] : memref<4096x8xi32, #tpu.memory_space<vmem>>, vector<4096x8xi32>
    %broadcast_in_dim3A_48 = vector.shape_cast %broadcast_in_dim3A_27 : vector<4096x1xi32> to vector<4096x1xi32>
    %broadcast_in_dim3A_49 = vector.broadcast %broadcast_in_dim3A_48 : vector<4096x1xi32> to vector<4096x8xi32>
    %select_n3A_50 = arith.select %eq3A_44, %broadcast_in_dim3A_49, %get3A_47 : vector<4096x8xi1>, vector<4096x8xi32>
    %swap3A_51 = arith.constant 0 : index
    %swap3A_52 = arith.constant 0 : index
    %swap3A_53 = vector.load %arg4[%swap3A_51, %swap3A_52] : memref<4096x8xi32, #tpu.memory_space<vmem>>, vector<4096x8xi32>
    tpu.vector_store %arg4[%swap3A_51, %swap3A_52], %select_n3A_50 {strides = array<i32>} : memref<4096x8xi32, #tpu.memory_space<vmem>>, vector<4096x8xi32>,
    %eq3A_54 = arith.constant 7 : i32
    %eq3A_55 = arith.cmpi eq, %arg0, %eq3A_54 : i32
    %convert_element_type3A_56 = arith.extui %eq3A_55 : i1 to i32
    %cond3A_57 = arith.constant 0 : i32
    %cond3A_58 = arith.cmpi ne, %convert_element_type3A_56, %cond3A_57 : i32
    scf.if %cond3A_58 {
      %get3A_59 = arith.constant 0 : index
      %get3A_60 = arith.constant 0 : index
      %get3A_61 = vector.load %arg7[%get3A_59, %get3A_60] : memref<1x1024xf32, #tpu.memory_space<vmem>>, vector<1x1024xf32>
      %broadcast_in_dim3A_62 = vector.shape_cast %get3A_61 : vector<1x1024xf32> to vector<1x1024xf32>
      %broadcast_in_dim3A_63 = vector.broadcast %broadcast_in_dim3A_62 : vector<1x1024xf32> to vector<8x1024xf32>
      %swap3A_64 = arith.constant 0 : index
      %swap3A_65 = arith.constant 0 : index
      %swap3A_66 = vector.load %arg5[%swap3A_64, %swap3A_65] : memref<8x1024xf32, #tpu.memory_space<vmem>>, vector<8x1024xf32>
      tpu.vector_store %arg5[%swap3A_64, %swap3A_65], %broadcast_in_dim3A_63 {strides = array<i32>} : memref<8x1024xf32, #tpu.memory_space<vmem>>, vector<8x1024xf32>,
    } else {
    }
    return
  }
  func.func @transform_0(%arg0: i32) -> (i32, i32) {
    %c0_i32 = arith.constant 0 : i32
    %c0_i32_0 = arith.constant 0 : i32
    return %arg0, %c0_i32 : i32, i32
  }
  func.func @transform_1(%arg0: i32) -> (i32, i32) {
    %c0_i32 = arith.constant 0 : i32
    %c0_i32_0 = arith.constant 0 : i32
    %c0_i32_1 = arith.constant 0 : i32
    return %c0_i32, %c0_i32_0 : i32, i32
  }
  func.func @transform_2(%arg0: i32) -> (i32, i32) {
    %c0_i32 = arith.constant 0 : i32
    %c0_i32_0 = arith.constant 0 : i32
    return %arg0, %c0_i32 : i32, i32
  }
  func.func @transform_3(%arg0: i32) -> (i32, i32) {
    %c0_i32 = arith.constant 0 : i32
    %c0_i32_0 = arith.constant 0 : i32
    %c0_i32_1 = arith.constant 0 : i32
    return %c0_i32, %c0_i32_0 : i32, i32
  }
  func.func @transform_4(%arg0: i32) -> (i32, i32) {
    %c0_i32 = arith.constant 0 : i32
    %c0_i32_0 = arith.constant 0 : i32
    %c0_i32_1 = arith.constant 0 : i32
    return %c0_i32, %c0_i32_0 : i32, i32
  }
}

</mosaic_0001>

<sc_bundles>
// kernel: kernel.5.cloned.1.call-start
scs
__scs_entry_jumppad:
0x0: {  	(pc) =	sbr.rel $0x88, $3  }
0x1: {  	(tag) =	ssettag $0x0;
	lr =	simm.s32 $0x1  }
0x2: {  	[smem:$0x3F9F] =	sst lr;
	_ =	strace $0xD0000000  }
0x3: {  	_ = 	snop  }
0x4: {  	_ = 	snop  }
0x5: {  	_ = 	snop  }
0x6: {  	_ = 	snop  }
0x7: {  	_ = 	snop  }
__scs_overlays_trampoline_lowered:
0x8: {  	[smem:$0x3FAE] =	sst s0  }
0x9: {  	[smem:$0x3FAF] =	sst s1  }
0xa: {  	[smem:$0x3FB0] =	sst s2  }
0xb: {  	[smem:$0x3FB1] =	sst s3  }
0xc: {  	[smem:$0x3FB2] =	sst s4  }
0xd: {  	[smem:$0x3FB3] =	sst s5  }
0xe: {  	[smem:$0x3FB4] =	sst s6  }
0xf: {  	[smem:$0x3FB5] =	sst s7  }
0x10: {  	[smem:$0x3FB6] =	sst s8  }
0x11: {  	[smem:$0x3FB7] =	sst s9;
	s0 =	simm.s32 @!p0 $0x0  }
0x12: {  	s1 =	sld [smem:$0x3F9D];
	s0 =	simm.s32 @p0 $0x1  }
0x13: {  	[smem:$0x3FB8] =	sst s0;
	s0 =	simm.s32 @!p1 $0x0  }
0x14: {  	s2 =	sld [smem:$0x3F9C];
	s0 =	simm.s32 @p1 $0x1  }
0x15: {  	[smem:$0x3FB9] =	sst s0;
	s0 =	simm.s32 @!p2 $0x0  }
0x16: {  	s3 =	sld [smem:$0x3FDB];
	s0 =	simm.s32 @p2 $0x1  }
0x17: {  	s4 =	simm.s32 $0x1BF5;
	[smem:$0x3FBB] =	sst s0  }
0x18: {  	s0 =	sld [smem:$0x3F9E];
	_ =	swait.ge [sflag:s4], $0x0  }
0x19: {  	s7 =	sld [smem:$0x3F9F]  }
0x1a: {  	s8 =	sadd.s32 $0xFFFFE003, lr  }
0x1b: {  	s9 =	sadd.s32 $0xFFFFFEF7, lr;
	s5 =	simm.s32 $0xFFFFFFFF;
	p2 =	slt.u32 s8, $0xFFFFF086  }
0x1c: {  	p1 =	slt.u32 s9, $0xF7A;
	s5 =	simm.s32 @!p2 $0x0  }
0x1d: {  	s5 =	simm.s32 @p1 $0x1;
	p0 =	seq.s32 s7, s2  }
0x1e: {  	s7 =	smul.u32 @!p0 $0xF7A, s2;
	p2 =	seq.s32 @!p0 s5, $0x0  }
0x1f: {  	s9 =	smul.u32 $0xF7A, s1;
	s8 =	simm.s32 @!p0 $0x1BF5;
	p2 =	por !p2, p0  }
0x20: {  	[sflag:s8] =	ssyncset.s32 @!p0 $0xFFFFF086;
	s6 =	sadd.s32 @!p0 s3, s7;
	s7 =	simm.s32 @!p0 $0x108  }
0x21: {  	s3 =	sadd.s32 s3, s9;
	s6 =	sadd.s32 @!p0 $0x88, s6;
	s7 =	simm.s32 @p2 $0x1082  }
0x22: {  	[simem:s7], [sflag:s8] =	dma.local @!p0 [hbm:s6], $0xF7A  }
0x23: {  	s9 =	sor.u32 $0xD0000000, s2;
	s6 =	simm.s32 $0x108;
	_ =	swait.ge @!p0 [sflag:s8], $0x0  }
0x24: {  	s3 =	sadd.s32 $0x88, s3;
	s6 =	simm.s32 @!p1 $0x1082;
	[sflag:s4] =	ssyncset.s32 $0xFFFFF086  }
0x25: {  	[simem:s6], [sflag:s4] =	dma.local [hbm:s3], $0xF7A  }
0x26: {  	[smem:$0x3F9F] =	sst s1;
	(tag) =	ssettag s2;
	_ =	strace s9  }
0x27: {  	s1 =	sld [smem:$0x3FAF]  }
0x28: {  	s2 =	sld [smem:$0x3FB0]  }
0x29: {  	s4 =	sld [smem:$0x3FB2]  }
0x2a: {  	p0 =	seq.s32 s5, $0x0;
	s5 =	sld [smem:$0x3FB3]  }
0x2b: {  	s6 =	sld [smem:$0x3FB4]  }
0x2c: {  	s7 =	sld [smem:$0x3FB5]  }
0x2d: {  	s3 =	simm.s32 $0x108;
	s8 =	sld [smem:$0x3FB6]  }
0x2e: {  	s3 =	simm.s32 @!p0 $0x1082;
	s9 =	sld [smem:$0x3FB7]  }
0x2f: {  	lr =	sadd.s32 s0, s3;
	s0 =	sld [smem:$0x3FAE]  }
0x30: {  	s3 =	sld [smem:$0x3FB1]  }
0x31: {  	[smem:$0x3FBA] =	sst s10  }
0x32: {  	s10 =	sld [smem:$0x3FB8];
	_ =	sdelay $0x3  }
0x33: {  	p0 =	seq.s32 s10, $0x1;
	s10 =	sld [smem:$0x3FBA];
	_ =	sdelay $0x3  }
0x34: {  	[smem:$0x3FBA] =	sst s10  }
0x35: {  	s10 =	sld [smem:$0x3FB9];
	_ =	sdelay $0x3  }
0x36: {  	p1 =	seq.s32 s10, $0x1;
	s10 =	sld [smem:$0x3FBA];
	_ =	sdelay $0x3  }
0x37: {  	[smem:$0x3FBA] =	sst s10  }
0x38: {  	s10 =	sld [smem:$0x3FBB]  }
0x39: {  	_ = 	snop;
	(pc) =	sbr.ind lr, $3  }
0x3a: {  	_ = 	snop  }
0x3b: {  	_ = 	snop  }
0x3c: {  	p2 =	seq.s32 s10, $0x1;
	s10 =	sld [smem:$0x3FBA]  }
0x3d: {  	_ =	shalt  }
0x3e: {  	_ =	shalt  }
0x3f: {  	_ =	shalt  }
0x40: {  	_ =	shalt  }
0x41: {  	_ =	shalt  }
0x42: {  	_ =	shalt  }
0x43: {  	_ =	shalt  }
0x44: {  	_ =	shalt  }
0x45: {  	_ =	shalt  }
0x46: {  	_ =	shalt  }
0x47: {  	_ =	shalt  }
0x48: {  	_ =	shalt  }
0x49: {  	_ =	shalt  }
0x4a: {  	_ =	shalt  }
0x4b: {  	_ =	shalt  }
0x4c: {  	_ =	shalt  }
0x4d: {  	_ =	shalt  }
0x4e: {  	_ =	shalt  }
0x4f: {  	_ =	shalt  }
0x50: {  	_ =	shalt  }
0x51: {  	_ =	shalt  }
0x52: {  	_ =	shalt  }
0x53: {  	_ =	shalt  }
0x54: {  	_ =	shalt  }
0x55: {  	_ =	shalt  }
0x56: {  	_ =	shalt  }
0x57: {  	_ =	shalt  }
0x58: {  	_ =	shalt  }
0x59: {  	_ =	shalt  }
0x5a: {  	_ =	shalt  }
0x5b: {  	_ =	shalt  }
0x5c: {  	_ =	shalt  }
0x5d: {  	_ =	shalt  }
0x5e: {  	_ =	shalt  }
0x5f: {  	_ =	shalt  }
0x60: {  	_ =	shalt  }
0x61: {  	_ =	shalt  }
0x62: {  	_ =	shalt  }
0x63: {  	_ =	shalt  }
0x64: {  	_ =	shalt  }
0x65: {  	_ =	shalt  }
0x66: {  	_ =	shalt  }
0x67: {  	_ =	shalt  }
0x68: {  	_ =	shalt  }
0x69: {  	_ =	shalt  }
0x6a: {  	_ =	shalt  }
0x6b: {  	_ =	shalt  }
0x6c: {  	_ =	shalt  }
0x6d: {  	_ =	shalt  }
0x6e: {  	_ =	shalt  }
0x6f: {  	_ =	shalt  }
0x70: {  	_ =	shalt  }
0x71: {  	_ =	shalt  }
0x72: {  	_ =	shalt  }
0x73: {  	_ =	shalt  }
0x74: {  	_ =	shalt  }
0x75: {  	_ =	shalt  }
0x76: {  	_ =	shalt  }
0x77: {  	_ =	shalt  }
0x78: {  	_ =	shalt  }
0x79: {  	_ =	shalt  }
0x7a: {  	_ =	shalt  }
0x7b: {  	_ =	shalt  }
0x7c: {  	_ =	shalt  }
0x7d: {  	_ =	shalt  }
0x7e: {  	_ =	shalt  }
0x7f: {  	_ =	shalt  }
0x80: {  	_ =	shalt  }
0x81: {  	_ =	shalt  }
0x82: {  	_ =	shalt  }
0x83: {  	_ =	shalt  }
0x84: {  	_ =	shalt  }
0x85: {  	_ =	shalt  }
0x86: {  	_ =	shalt  }
0x87: {  	_ =	shalt  }
.Lfunc_end0:
.L_simem_size_0:
called_computation_lowered:
.L_overlay_start_0:
0x88: {  	s2 =	sld [smem:$0x3FD9]  }
0x89: {  	s3 =	sld [smem:$0x3FFE];
	_ =	sdelay $0x1  }
0x8a: {  	s1 =	srdreg.scid  }
0x8b: {  	s0 =	sand.u32 $0x1, s1  }
0x8c: {  	s17 =	sshll.u32 s0, $0xA;
	s2 =	sadd.s32 s3, s2  }
0x8d: {  	s2 =	sadd.s32 s2, s17  }
0x8e: {  	[smem:$0x3FC6] =	sst s2  }
0x8f: {  	_ = 	snop  }
0x90: {  	s2 =	sld [smem:$0x3FD0];
	(tm) =	ssettm $0x1  }
0x91: {  	s18 =	sld [smem:$0x3FFB];
	_ =	sdelay $0x3  }
0x92: {  	_ =	strace s18  }
0x93: {  	s3 =	sld [smem:$0x3FFC];
	_ =	sdelay $0x3  }
0x94: {  	_ =	strace s3  }
0x95: {  	s3 =	sld [smem:$0x3FFD];
	_ =	sdelay $0x3  }
0x96: {  	_ =	strace s3  }
0x97: {  	_ =	strace $0x8FFFFFFF  }
0x98: {  	s19 =	sld [smem:$0x3FDB];
	_ =	sdelay $0x1  }
0x99: {  	s4 =	simm.s32 $_scs_section_size  }
0x9a: {  	s5 =	simm.s32 $_size__tile_overlayer_lowered;
	s6 =	simm.s32 $_tile_overlayer_lowered  }
0x9b: {  	s22 =	simm.s32 $0x1BFF;
	s21 =	sshll.u32 s6, $0x1;
	s3 =	sadd.s32 s4, s19  }
0x9c: {  	s7 =	simm.s32 $0x0;
	s20 =	sshll.u32 s5, $0x1;
	s5 =	sadd.s32 s21, s3  }
0x9d: {  	[timem:s7], [sflag:s22] =	dma.local [hbm:s5], s20  }
0x9e: {  	_ =	swait.ge [sflag:s22], s20  }
0x9f: {  	s4 =	ssub.s32 $0x0, s20;
	[sflag:s22] =	ssyncset.done $0x0  }
0xa0: {  	[sflag:s22] =	ssyncadd.s32 s4;
	_ =	sdelay $0x1  }
0xa1: {  	s23 =	simm.s32 $0x1B8B  }
0xa2: {  	_ =	swait.ge [sflag:s23], $0x1  }
0xa3: {  	[sflag:s23] =	ssyncset.done $0x0  }
0xa4: {  	s25 =	simm.s32 $0x1B8E;
	s24 =	sld [smem:$0x3FFE];
	[sflag:s23] =	ssyncadd.s32 $0xFFFFFFFF  }
0xa5: {  	s26 =	simm.s32 $execute0_lowered;
	[smem:$0x3FD2] =	sst s25  }
0xa6: {  	s5 =	sshll.u32 s26, $0x1;
	_ =	strace $0x80000046;
	[dreg:$0x1] =	wrdreg $0xFFFFFFFF  }
0xa7: {  	s28 =	simm.s32 $_size_execute0_lowered;
	s3 =	sadd.s32 s3, s5;
	[dreg:$0x0] =	wrdreg $0x0  }
0xa8: {  	s5 =	sshll.u32 s28, $0x1;
	[dreg:$0x2] =	wrdreg s3  }
0xa9: {  	[dreg:$0x3] =	wrdreg s5  }
0xaa: {  	[dreg:$0x4] =	wrdreg $0xC0  }
0xab: {  	_ =	task [dreg:s7], $0x5FFFF  }
0xac: {  	[dreg:$0x1] =	wrdreg $0xFFFFFFFF  }
0xad: {  	[dreg:$0x0] =	wrdreg $0x60  }
0xae: {  	[dreg:$0x2] =	wrdreg s24  }
0xaf: {  	[dreg:$0x3] =	wrdreg s2  }
0xb0: {  	[dreg:$0x4] =	wrdreg $0x40800  }
0xb1: {  	[dreg:$0x5] =	wrdreg $0x9  }
0xb2: {  	_ =	task.clear_ibuf [dreg:s7], $0x6FFFF;
	_ =	strace $0x90000046  }
0xb3: {  	s29 =	simm.s32 $0x9;
	_ =	strace $0x80000048  }
0xb4: {  	_ =	swait.ge [sflag:s29], $0x1  }
0xb5: {  	[sflag:s29] =	ssyncadd.s32 $0xFFFFFFFF  }
0xb6: {  	_ =	strace $0x90000048  }
0xb7: {  	_ =	sfence  }
0xb8: {  	s30 =	sld [smem:$0x0];
	_ =	sdelay $0x2  }
0xb9: {  	s31 =	sshll.u32 s1, $0xD;
	s1 =	sshrl.u32 s1, $0x2  }
0xba: {  	s3 =	sand.u32 $0x4000, s31;
	s1 =	sadd.s32 s1, s30  }
0xbb: {  	s0 =	sor.u32 s3, s0;
	s1 =	sshll.u32 s1, $0x11  }
0xbc: {  	s0 =	sor.u32 s1, s0  }
0xbd: {  	s0 =	sadd.s32 $0x8F2B, s0  }
0xbe: {  	[sflag:s0] =	ssyncadd.remote.s32 $0x1  }
0xbf: {  	_ =	sfence.sel $0xFFFF  }
0xc0: {  	[dreg:$0x0] =	wrdreg $0xFFFFFFFF;
	(pc) =	sbr.abs _section_cstart, $3  }
0xc1: {  	[dreg:$0x1] =	wrdreg $0xFFFFFFFF  }
0xc2: {  	_ =	task.clear_ibuf [dreg:s7], $0x2FFFF;
	_ =	strace $0x9FFFFFFF  }
0xc3: {  	(tm) =	ssettm $0x7FFFFFFF  }
tec
execute0_lowered:
.L_overlay_start_1:
0x0: {  	(tag) =	ssettag $0x1  }
0x1: {  	s9 =	rddreg [dreg:$0x0]  }
0x2: {  	s23 =	rddreg [dreg:$0x1]  }
0x3: {  	s2 =	rddreg [dreg:$0x2]  }
0x4: {  	s0 =	rddreg [dreg:$0x3]  }
0x5: {  	s3 =	simm.s32 $0x0;
	s1 =	stileid.u32;
	s4 =	srdreg.scid  }
0x6: {  	[smem:$0x7FF] =	sst s3;
	s8 =	sshll.u32 s1, $0xA;
	s26 =	sand.u32 $0x1, s4  }
0x7: {  	s29 =	sshll.u32 s1, $0xD;
	s5 =	sshll.u32 s1, $0x6;
	_ =	strace $0x80000047  }
0x8: {  	s25 =	sadd.s32 s8, s9;
	s6 =	sadd.s32 s29, s2;
	s5 =	sor.u32 $0x1C01, s5  }
0x9: {  	s4 =	sadd.s32 $0x80A00, s25;
	s7 =	sshrl.u32 s6, $0x3;
	s6 =	simm.s32 $0x1  }
0xa: {  	[spmem:s7], [sflag:s5] =	dma.local [hbm:s4], $0x400  }
0xb: {  	s28 =	sshll.u32 s26, $0xE;
	_ =	swait.ge [sflag:s6], $0x400  }
0xc: {  	s29 =	sor.u32 s8, s28;
	[sflag:s6] =	ssyncset.done $0x0  }
0xd: {  	s8 =	sshrl.u32 s29, $0x3;
	[sflag:s6] =	ssyncadd.s32 $0xFFFFFC00  }
0xe: {  	s8 =	sadd.s32 s23, s8;
	[bflag:$0x0] =	sbarrier.arrive $0xFFFF  }
0xf: {  	[tilespmem:s3], [sflag:$0x1] =	stream.linear.gather [hbm4b:s8+s3], $0x80, $0x38;
	[tilespmem:$0x6080] =	vst v63  }
0x10: {  	_ =	swait.ge [sflag:s6], $0x80  }
0x11: {  	s24 =	sadd.s32 $0xA00, s9;
	s30 =	sshll.u32 s29, $0x4;
	[sflag:s6] =	ssyncset.done $0x0  }
0x12: {  	s10 =	simm.s32 $0x80;
	s9 =	sadd.s32 s24, s30;
	[sflag:s6] =	ssyncadd.s32 $0xFFFFFF80  }
0x13: {  	[tilespmem:s10], [sflag:$0x1] =	stream.linear.gather [hbm4b:s9+s3], $0x4000, $0x38;
	[tilespmem:$0x6080] =	vst v63  }
0x14: {  	_ =	swait.ge [sflag:s6], $0x4000  }
0x15: {  	[sflag:s6] =	ssyncset.done $0x0  }
0x16: {  	[sflag:s6] =	ssyncadd.s32 $0xFFFFC000  }
0x17: {  	[spmem:s2] =	stream.indirect.scatter.add.f32 [tilespmem:s10], [sflag:$0x1], $0x80, s3, s10, $0xb8;
	[tilespmem:$0x6080] =	vst v63  }
0x18: {  	s12 =	sor.u32 $0x80, s29;
	_ =	swait.ge [sflag:s6], $0x4000  }
0x19: {  	s11 =	sshrl.u32 s12, $0x3;
	[sflag:s6] =	ssyncset.done $0x0  }
0x1a: {  	s11 =	sadd.s32 s23, s11;
	[sflag:s6] =	ssyncadd.s32 $0xFFFFC000  }
0x1b: {  	[tilespmem:s3], [sflag:$0x1] =	stream.linear.gather [hbm4b:s11+s3], $0x80, $0x38;
	[tilespmem:$0x6080] =	vst v63  }
0x1c: {  	_ =	swait.ge [sflag:s6], $0x80  }
0x1d: {  	s12 =	sshll.u32 s12, $0x4;
	[sflag:s6] =	ssyncset.done $0x0  }
0x1e: {  	s12 =	sadd.s32 s24, s12;
	[sflag:s6] =	ssyncadd.s32 $0xFFFFFF80  }
0x1f: {  	[tilespmem:s10], [sflag:$0x1] =	stream.linear.gather [hbm4b:s12+s3], $0x4000, $0x38;
	[tilespmem:$0x6080] =	vst v63  }
0x20: {  	_ =	swait.ge [sflag:s6], $0x4000  }
0x21: {  	[sflag:s6] =	ssyncset.done $0x0  }
0x22: {  	[sflag:s6] =	ssyncadd.s32 $0xFFFFC000  }
0x23: {  	[spmem:s2] =	stream.indirect.scatter.add.f32 [tilespmem:s10], [sflag:$0x1], $0x80, s3, s10, $0xb8;
	[tilespmem:$0x6080] =	vst v63  }
0x24: {  	s14 =	sor.u32 $0x100, s29;
	_ =	swait.ge [sflag:s6], $0x4000  }
0x25: {  	s13 =	sshrl.u32 s14, $0x3;
	[sflag:s6] =	ssyncset.done $0x0  }
0x26: {  	s13 =	sadd.s32 s23, s13;
	[sflag:s6] =	ssyncadd.s32 $0xFFFFC000  }
0x27: {  	[tilespmem:s3], [sflag:$0x1] =	stream.linear.gather [hbm4b:s13+s3], $0x80, $0x38;
	[tilespmem:$0x6080] =	vst v63  }
0x28: {  	_ =	swait.ge [sflag:s6], $0x80  }
0x29: {  	s14 =	sshll.u32 s14, $0x4;
	[sflag:s6] =	ssyncset.done $0x0  }
0x2a: {  	s14 =	sadd.s32 s24, s14;
	[sflag:s6] =	ssyncadd.s32 $0xFFFFFF80  }
0x2b: {  	[tilespmem:s10], [sflag:$0x1] =	stream.linear.gather [hbm4b:s14+s3], $0x4000, $0x38;
	[tilespmem:$0x6080] =	vst v63  }
0x2c: {  	_ =	swait.ge [sflag:s6], $0x4000  }
0x2d: {  	[sflag:s6] =	ssyncset.done $0x0  }
0x2e: {  	[sflag:s6] =	ssyncadd.s32 $0xFFFFC000  }
0x2f: {  	[spmem:s2] =	stream.indirect.scatter.add.f32 [tilespmem:s10], [sflag:$0x1], $0x80, s3, s10, $0xb8;
	[tilespmem:$0x6080] =	vst v63  }
0x30: {  	s16 =	sor.u32 $0x180, s29;
	_ =	swait.ge [sflag:s6], $0x4000  }
0x31: {  	s15 =	sshrl.u32 s16, $0x3;
	[sflag:s6] =	ssyncset.done $0x0  }
0x32: {  	s15 =	sadd.s32 s23, s15;
	[sflag:s6] =	ssyncadd.s32 $0xFFFFC000  }
0x33: {  	[tilespmem:s3], [sflag:$0x1] =	stream.linear.gather [hbm4b:s15+s3], $0x80, $0x38;
	[tilespmem:$0x6080] =	vst v63  }
0x34: {  	_ =	swait.ge [sflag:s6], $0x80  }
0x35: {  	s16 =	sshll.u32 s16, $0x4;
	[sflag:s6] =	ssyncset.done $0x0  }
0x36: {  	s16 =	sadd.s32 s24, s16;
	[sflag:s6] =	ssyncadd.s32 $0xFFFFFF80  }
0x37: {  	[tilespmem:s10], [sflag:$0x1] =	stream.linear.gather [hbm4b:s16+s3], $0x4000, $0x38;
	[tilespmem:$0x6080] =	vst v63  }
0x38: {  	_ =	swait.ge [sflag:s6], $0x4000  }
0x39: {  	[sflag:s6] =	ssyncset.done $0x0  }
0x3a: {  	[sflag:s6] =	ssyncadd.s32 $0xFFFFC000  }
0x3b: {  	[spmem:s2] =	stream.indirect.scatter.add.f32 [tilespmem:s10], [sflag:$0x1], $0x80, s3, s10, $0xb8;
	[tilespmem:$0x6080] =	vst v63  }
0x3c: {  	s18 =	sor.u32 $0x200, s29;
	_ =	swait.ge [sflag:s6], $0x4000  }
0x3d: {  	s17 =	sshrl.u32 s18, $0x3;
	[sflag:s6] =	ssyncset.done $0x0  }
0x3e: {  	s17 =	sadd.s32 s23, s17;
	[sflag:s6] =	ssyncadd.s32 $0xFFFFC000  }
0x3f: {  	[tilespmem:s3], [sflag:$0x1] =	stream.linear.gather [hbm4b:s17+s3], $0x80, $0x38;
	[tilespmem:$0x6080] =	vst v63  }
0x40: {  	_ =	swait.ge [sflag:s6], $0x80  }
0x41: {  	s18 =	sshll.u32 s18, $0x4;
	[sflag:s6] =	ssyncset.done $0x0  }
0x42: {  	s18 =	sadd.s32 s24, s18;
	[sflag:s6] =	ssyncadd.s32 $0xFFFFFF80  }
0x43: {  	[tilespmem:s10], [sflag:$0x1] =	stream.linear.gather [hbm4b:s18+s3], $0x4000, $0x38;
	[tilespmem:$0x6080] =	vst v63  }
0x44: {  	_ =	swait.ge [sflag:s6], $0x4000  }
0x45: {  	[sflag:s6] =	ssyncset.done $0x0  }
0x46: {  	[sflag:s6] =	ssyncadd.s32 $0xFFFFC000  }
0x47: {  	[spmem:s2] =	stream.indirect.scatter.add.f32 [tilespmem:s10], [sflag:$0x1], $0x80, s3, s10, $0xb8;
	[tilespmem:$0x6080] =	vst v63  }
0x48: {  	s20 =	sor.u32 $0x280, s29;
	_ =	swait.ge [sflag:s6], $0x4000  }
0x49: {  	s19 =	sshrl.u32 s20, $0x3;
	[sflag:s6] =	ssyncset.done $0x0  }
0x4a: {  	s19 =	sadd.s32 s23, s19;
	[sflag:s6] =	ssyncadd.s32 $0xFFFFC000  }
0x4b: {  	[tilespmem:s3], [sflag:$0x1] =	stream.linear.gather [hbm4b:s19+s3], $0x80, $0x38;
	[tilespmem:$0x6080] =	vst v63  }
0x4c: {  	_ =	swait.ge [sflag:s6], $0x80  }
0x4d: {  	s20 =	sshll.u32 s20, $0x4;
	[sflag:s6] =	ssyncset.done $0x0  }
0x4e: {  	s20 =	sadd.s32 s24, s20;
	[sflag:s6] =	ssyncadd.s32 $0xFFFFFF80  }
0x4f: {  	[tilespmem:s10], [sflag:$0x1] =	stream.linear.gather [hbm4b:s20+s3], $0x4000, $0x38;
	[tilespmem:$0x6080] =	vst v63  }
0x50: {  	_ =	swait.ge [sflag:s6], $0x4000  }
0x51: {  	[sflag:s6] =	ssyncset.done $0x0  }
0x52: {  	[sflag:s6] =	ssyncadd.s32 $0xFFFFC000  }
0x53: {  	[spmem:s2] =	stream.indirect.scatter.add.f32 [tilespmem:s10], [sflag:$0x1], $0x80, s3, s10, $0xb8;
	[tilespmem:$0x6080] =	vst v63  }
0x54: {  	s22 =	sor.u32 $0x300, s29;
	_ =	swait.ge [sflag:s6], $0x4000  }
0x55: {  	s21 =	sshrl.u32 s22, $0x3;
	[sflag:s6] =	ssyncset.done $0x0  }
0x56: {  	s21 =	sadd.s32 s23, s21;
	[sflag:s6] =	ssyncadd.s32 $0xFFFFC000  }
0x57: {  	[tilespmem:s3], [sflag:$0x1] =	stream.linear.gather [hbm4b:s21+s3], $0x80, $0x38;
	[tilespmem:$0x6080] =	vst v63  }
0x58: {  	_ =	swait.ge [sflag:s6], $0x80  }
0x59: {  	s22 =	sshll.u32 s22, $0x4;
	[sflag:s6] =	ssyncset.done $0x0  }
0x5a: {  	s22 =	sadd.s32 s24, s22;
	[sflag:s6] =	ssyncadd.s32 $0xFFFFFF80  }
0x5b: {  	[tilespmem:s10], [sflag:$0x1] =	stream.linear.gather [hbm4b:s22+s3], $0x4000, $0x38;
	[tilespmem:$0x6080] =	vst v63  }
0x5c: {  	_ =	swait.ge [sflag:s6], $0x4000  }
0x5d: {  	[sflag:s6] =	ssyncset.done $0x0  }
0x5e: {  	[sflag:s6] =	ssyncadd.s32 $0xFFFFC000  }
0x5f: {  	[spmem:s2] =	stream.indirect.scatter.add.f32 [tilespmem:s10], [sflag:$0x1], $0x80, s3, s10, $0xb8;
	[tilespmem:$0x6080] =	vst v63  }
0x60: {  	s29 =	sor.u32 $0x380, s29;
	_ =	swait.ge [sflag:s6], $0x4000  }
0x61: {  	s30 =	sshrl.u32 s29, $0x3;
	[sflag:s6] =	ssyncset.done $0x0  }
0x62: {  	s23 =	sadd.s32 s23, s30;
	[sflag:s6] =	ssyncadd.s32 $0xFFFFC000  }
0x63: {  	[tilespmem:s3], [sflag:$0x1] =	stream.linear.gather [hbm4b:s23+s3], $0x80, $0x38;
	[tilespmem:$0x6080] =	vst v63  }
0x64: {  	_ =	swait.ge [sflag:s6], $0x80  }
0x65: {  	s29 =	sshll.u32 s29, $0x4;
	[sflag:s6] =	ssyncset.done $0x0  }
0x66: {  	s24 =	sadd.s32 s24, s29;
	[sflag:s6] =	ssyncadd.s32 $0xFFFFFF80  }
0x67: {  	[tilespmem:s10], [sflag:$0x1] =	stream.linear.gather [hbm4b:s24+s3], $0x4000, $0x38;
	[tilespmem:$0x6080] =	vst v63  }
0x68: {  	s26 =	ssub.s32 $0x2, s26;
	_ =	swait.ge [sflag:s6], $0x4000  }
0x69: {  	s31 =	sshrl.u32 s26, $0x1;
	[sflag:s6] =	ssyncset.done $0x0  }
0x6a: {  	s26 =	ssub.s32 s26, s31;
	[sflag:s6] =	ssyncadd.s32 $0xFFFFC000  }
0x6b: {  	[spmem:s2] =	stream.indirect.scatter.add.f32 [tilespmem:s10], [sflag:$0x1], $0x80, s3, s10, $0xb8;
	[tilespmem:$0x6080] =	vst v63  }
0x6c: {  	s26 =	smax.u32 s26, $0x1;
	_ =	swait.ge [sflag:s6], $0x4000  }
0x6d: {  	p0 =	sne.s32 s26, $0x1;
	[sflag:s6] =	ssyncset.done $0x0  }
.Ltmp0:
0x6e: {  	s25 =	sadd.s32 s28, s25;
	[sflag:s6] =	ssyncadd.s32 $0xFFFFC000;
	(pc) =	sbr.rel @!p0 .LBB2_2-.Ltmp0, $4  }
0x6f: {  	s25 =	sadd.s32 $0x84A00, s25;
	[bflag:$0x0] =	sbarrier.arrive $0xFFFF  }
0x70: {  	[hbm:s25], [sflag:s5] =	dma.local [spmem:s7], $0x400  }
0x71: {  	_ =	swait.ge [sflag:s6], $0x400  }
0x72: {  	s26 =	sadd.s32 $0xFFFFFFFF, s26;
	[sflag:s6] =	ssyncset.done $0x0  }
.LBB2_1:
0x73: {  	p0 =	sne.s32 s26, $0x1;
	s26 =	sadd.s32 $0xFFFFFFFF, s26;
	[sflag:s6] =	ssyncadd.s32 $0xFFFFFC00  }
0x74: {  	[spmem:s7], [sflag:s5] =	dma.local [hbm:s4], $0x400  }
0x75: {  	_ =	swait.ge [sflag:s6], $0x400  }
0x76: {  	[sflag:s6] =	ssyncset.done $0x0  }
0x77: {  	[sflag:s6] =	ssyncadd.s32 $0xFFFFFC00  }
0x78: {  	[bflag:$0x0] =	sbarrier.arrive $0xFFFF  }
0x79: {  	[tilespmem:s3], [sflag:$0x1] =	stream.linear.gather [hbm4b:s8+s3], $0x80, $0x38;
	[tilespmem:$0x6080] =	vst v63  }
0x7a: {  	_ =	swait.ge [sflag:s6], $0x80  }
0x7b: {  	[sflag:s6] =	ssyncset.done $0x0  }
0x7c: {  	[sflag:s6] =	ssyncadd.s32 $0xFFFFFF80  }
0x7d: {  	[tilespmem:s10], [sflag:$0x1] =	stream.linear.gather [hbm4b:s9+s3], $0x4000, $0x38;
	[tilespmem:$0x6080] =	vst v63  }
0x7e: {  	_ =	swait.ge [sflag:s6], $0x4000  }
0x7f: {  	[sflag:s6] =	ssyncset.done $0x0  }
0x80: {  	[sflag:s6] =	ssyncadd.s32 $0xFFFFC000  }
0x81: {  	[spmem:s2] =	stream.indirect.scatter.add.f32 [tilespmem:s10], [sflag:$0x1], $0x80, s3, s10, $0xb8;
	[tilespmem:$0x6080] =	vst v63  }
0x82: {  	_ =	swait.ge [sflag:s6], $0x4000  }
0x83: {  	[sflag:s6] =	ssyncset.done $0x0  }
0x84: {  	[sflag:s6] =	ssyncadd.s32 $0xFFFFC000  }
0x85: {  	[tilespmem:s3], [sflag:$0x1] =	stream.linear.gather [hbm4b:s11+s3], $0x80, $0x38;
	[tilespmem:$0x6080] =	vst v63  }
0x86: {  	_ =	swait.ge [sflag:s6], $0x80  }
0x87: {  	[sflag:s6] =	ssyncset.done $0x0  }
0x88: {  	[sflag:s6] =	ssyncadd.s32 $0xFFFFFF80  }
0x89: {  	[tilespmem:s10], [sflag:$0x1] =	stream.linear.gather [hbm4b:s12+s3], $0x4000, $0x38;
	[tilespmem:$0x6080] =	vst v63  }
0x8a: {  	_ =	swait.ge [sflag:s6], $0x4000  }
0x8b: {  	[sflag:s6] =	ssyncset.done $0x0  }
0x8c: {  	[sflag:s6] =	ssyncadd.s32 $0xFFFFC000  }
0x8d: {  	[spmem:s2] =	stream.indirect.scatter.add.f32 [tilespmem:s10], [sflag:$0x1], $0x80, s3, s10, $0xb8;
	[tilespmem:$0x6080] =	vst v63  }
0x8e: {  	_ =	swait.ge [sflag:s6], $0x4000  }
0x8f: {  	[sflag:s6] =	ssyncset.done $0x0  }
0x90: {  	[sflag:s6] =	ssyncadd.s32 $0xFFFFC000  }
0x91: {  	[tilespmem:s3], [sflag:$0x1] =	stream.linear.gather [hbm4b:s13+s3], $0x80, $0x38;
	[tilespmem:$0x6080] =	vst v63  }
0x92: {  	_ =	swait.ge [sflag:s6], $0x80  }
0x93: {  	[sflag:s6] =	ssyncset.done $0x0  }
0x94: {  	[sflag:s6] =	ssyncadd.s32 $0xFFFFFF80  }
0x95: {  	[tilespmem:s10], [sflag:$0x1] =	stream.linear.gather [hbm4b:s14+s3], $0x4000, $0x38;
	[tilespmem:$0x6080] =	vst v63  }
0x96: {  	_ =	swait.ge [sflag:s6], $0x4000  }
0x97: {  	[sflag:s6] =	ssyncset.done $0x0  }
0x98: {  	[sflag:s6] =	ssyncadd.s32 $0xFFFFC000  }
0x99: {  	[spmem:s2] =	stream.indirect.scatter.add.f32 [tilespmem:s10], [sflag:$0x1], $0x80, s3, s10, $0xb8;
	[tilespmem:$0x6080] =	vst v63  }
0x9a: {  	_ =	swait.ge [sflag:s6], $0x4000  }
0x9b: {  	[sflag:s6] =	ssyncset.done $0x0  }
0x9c: {  	[sflag:s6] =	ssyncadd.s32 $0xFFFFC000  }
0x9d: {  	[tilespmem:s3], [sflag:$0x1] =	stream.linear.gather [hbm4b:s15+s3], $0x80, $0x38;
	[tilespmem:$0x6080] =	vst v63  }
0x9e: {  	_ =	swait.ge [sflag:s6], $0x80  }
0x9f: {  	[sflag:s6] =	ssyncset.done $0x0  }
0xa0: {  	[sflag:s6] =	ssyncadd.s32 $0xFFFFFF80  }
0xa1: {  	[tilespmem:s10], [sflag:$0x1] =	stream.linear.gather [hbm4b:s16+s3], $0x4000, $0x38;
	[tilespmem:$0x6080] =	vst v63  }
0xa2: {  	_ =	swait.ge [sflag:s6], $0x4000  }
0xa3: {  	[sflag:s6] =	ssyncset.done $0x0  }
0xa4: {  	[sflag:s6] =	ssyncadd.s32 $0xFFFFC000  }
0xa5: {  	[spmem:s2] =	stream.indirect.scatter.add.f32 [tilespmem:s10], [sflag:$0x1], $0x80, s3, s10, $0xb8;
	[tilespmem:$0x6080] =	vst v63  }
0xa6: {  	_ =	swait.ge [sflag:s6], $0x4000  }
0xa7: {  	[sflag:s6] =	ssyncset.done $0x0  }
0xa8: {  	[sflag:s6] =	ssyncadd.s32 $0xFFFFC000  }
0xa9: {  	[tilespmem:s3], [sflag:$0x1] =	stream.linear.gather [hbm4b:s17+s3], $0x80, $0x38;
	[tilespmem:$0x6080] =	vst v63  }
0xaa: {  	_ =	swait.ge [sflag:s6], $0x80  }
0xab: {  	[sflag:s6] =	ssyncset.done $0x0  }
0xac: {  	[sflag:s6] =	ssyncadd.s32 $0xFFFFFF80  }
0xad: {  	[tilespmem:s10], [sflag:$0x1] =	stream.linear.gather [hbm4b:s18+s3], $0x4000, $0x38;
	[tilespmem:$0x6080] =	vst v63  }
0xae: {  	_ =	swait.ge [sflag:s6], $0x4000  }
0xaf: {  	[sflag:s6] =	ssyncset.done $0x0  }
0xb0: {  	[sflag:s6] =	ssyncadd.s32 $0xFFFFC000  }
0xb1: {  	[spmem:s2] =	stream.indirect.scatter.add.f32 [tilespmem:s10], [sflag:$0x1], $0x80, s3, s10, $0xb8;
	[tilespmem:$0x6080] =	vst v63  }
0xb2: {  	_ =	swait.ge [sflag:s6], $0x4000  }
0xb3: {  	[sflag:s6] =	ssyncset.done $0x0  }
0xb4: {  	[sflag:s6] =	ssyncadd.s32 $0xFFFFC000  }
0xb5: {  	[tilespmem:s3], [sflag:$0x1] =	stream.linear.gather [hbm4b:s19+s3], $0x80, $0x38;
	[tilespmem:$0x6080] =	vst v63  }
0xb6: {  	_ =	swait.ge [sflag:s6], $0x80  }
0xb7: {  	[sflag:s6] =	ssyncset.done $0x0  }
0xb8: {  	[sflag:s6] =	ssyncadd.s32 $0xFFFFFF80  }
0xb9: {  	[tilespmem:s10], [sflag:$0x1] =	stream.linear.gather [hbm4b:s20+s3], $0x4000, $0x38;
	[tilespmem:$0x6080] =	vst v63  }
0xba: {  	_ =	swait.ge [sflag:s6], $0x4000  }
0xbb: {  	[sflag:s6] =	ssyncset.done $0x0  }
0xbc: {  	[sflag:s6] =	ssyncadd.s32 $0xFFFFC000  }
0xbd: {  	[spmem:s2] =	stream.indirect.scatter.add.f32 [tilespmem:s10], [sflag:$0x1], $0x80, s3, s10, $0xb8;
	[tilespmem:$0x6080] =	vst v63  }
0xbe: {  	_ =	swait.ge [sflag:s6], $0x4000  }
0xbf: {  	[sflag:s6] =	ssyncset.done $0x0  }
0xc0: {  	[sflag:s6] =	ssyncadd.s32 $0xFFFFC000  }
0xc1: {  	[tilespmem:s3], [sflag:$0x1] =	stream.linear.gather [hbm4b:s21+s3], $0x80, $0x38;
	[tilespmem:$0x6080] =	vst v63  }
0xc2: {  	_ =	swait.ge [sflag:s6], $0x80  }
0xc3: {  	[sflag:s6] =	ssyncset.done $0x0  }
0xc4: {  	[sflag:s6] =	ssyncadd.s32 $0xFFFFFF80  }
0xc5: {  	[tilespmem:s10], [sflag:$0x1] =	stream.linear.gather [hbm4b:s22+s3], $0x4000, $0x38;
	[tilespmem:$0x6080] =	vst v63  }
0xc6: {  	_ =	swait.ge [sflag:s6], $0x4000  }
0xc7: {  	[sflag:s6] =	ssyncset.done $0x0  }
0xc8: {  	[sflag:s6] =	ssyncadd.s32 $0xFFFFC000  }
0xc9: {  	[spmem:s2] =	stream.indirect.scatter.add.f32 [tilespmem:s10], [sflag:$0x1], $0x80, s3, s10, $0xb8;
	[tilespmem:$0x6080] =	vst v63  }
0xca: {  	_ =	swait.ge [sflag:s6], $0x4000  }
0xcb: {  	[sflag:s6] =	ssyncset.done $0x0  }
0xcc: {  	[sflag:s6] =	ssyncadd.s32 $0xFFFFC000  }
0xcd: {  	[tilespmem:s3], [sflag:$0x1] =	stream.linear.gather [hbm4b:s23+s3], $0x80, $0x38;
	[tilespmem:$0x6080] =	vst v63  }
0xce: {  	_ =	swait.ge [sflag:s6], $0x80  }
0xcf: {  	[sflag:s6] =	ssyncset.done $0x0  }
0xd0: {  	[sflag:s6] =	ssyncadd.s32 $0xFFFFFF80  }
0xd1: {  	[tilespmem:s10], [sflag:$0x1] =	stream.linear.gather [hbm4b:s24+s3], $0x4000, $0x38;
	[tilespmem:$0x6080] =	vst v63  }
0xd2: {  	_ =	swait.ge [sflag:s6], $0x4000  }
0xd3: {  	[sflag:s6] =	ssyncset.done $0x0  }
0xd4: {  	[sflag:s6] =	ssyncadd.s32 $0xFFFFC000  }
0xd5: {  	[spmem:s2] =	stream.indirect.scatter.add.f32 [tilespmem:s10], [sflag:$0x1], $0x80, s3, s10, $0xb8;
	[tilespmem:$0x6080] =	vst v63  }
0xd6: {  	_ =	swait.ge [sflag:s6], $0x4000  }
0xd7: {  	[sflag:s6] =	ssyncset.done $0x0  }
.Ltmp1:
0xd8: {  	[sflag:s6] =	ssyncadd.s32 $0xFFFFC000;
	(pc) =	sbr.rel @p0 .LBB2_1-.Ltmp1, $4  }
0xd9: {  	[bflag:$0x0] =	sbarrier.arrive $0xFFFF  }
0xda: {  	[hbm:s25], [sflag:s5] =	dma.local [spmem:s7], $0x400  }
0xdb: {  	_ =	swait.ge [sflag:s6], $0x400  }
0xdc: {  	[sflag:s6] =	ssyncset.done $0x0  }
.LBB2_2:
0xdd: {  	[sflag:s6] =	ssyncadd.s32 $0xFFFFFC00  }
0xde: {  	_ =	sfence.sel $0x180000  }
0xdf: {  	[bflag:$0x0] =	sbarrier.arrive $0xFFFF  }
0xe0: {  	p0 =	sne.s32 s1, $0x0;
	_ =	strace $0x90000047  }
0xe1: {  	s0 =	sadd.s32 @!p0 $0x100000, s0;
	[bflag:$0x2] =	sbarrier.arrive $0xFFFF  }
0xe2: {  	[sflag:s0] =	ssyncadd.tile.s32 @!p0 $0x1;
	_ =	shalt  }
.Lfunc_end2:
_tile_overlayer_lowered:
.L_overlay_start_2:
0xe3: {  	(tag) =	ssettag $0x2  }
0xe4: {  	s0 =	rddreg [dreg:$0x0];
	s2 =	stileid.u32  }
0xe5: {  	s1 =	rddreg [dreg:$0x1];
	p0 =	sne.s32 s2, $0x0  }
0xe6: {  	s3 =	rddreg [dreg:$0x2];
	[bflag:$0x3] =	sbarrier.arrive $0xFFFF;
	s2 =	simm.s32 @!p0 $0x1C01  }
0xe7: {  	[timem:s3], [sflag:s2] =	dma.local @!p0 [hbm:s0], s1  }
0xe8: {  	s0 =	simm.s32 @!p0 $0x1  }
0xe9: {  	_ =	swait.ge @!p0 [sflag:s0], s1  }
0xea: {  	s1 =	ssub.s32 @!p0 $0x0, s1;
	[sflag:s0] =	ssyncset.done @!p0 $0x0  }
0xeb: {  	[sflag:s0] =	ssyncadd.s32 @!p0 s1  }
0xec: {  	[bflag:$0x3] =	sbarrier.arrive $0xFFFF  }
0xed: {  	_ =	shalt  }

</sc_bundles>
